<compile_context>
chip_gen: v7x
topology: tpu7x:2x2x1
jax: 0.10.2.dev20260603
libtpu: 0.0.44.dev20260713+nightly
codegen_flags: <defaults>
</compile_context>

<pallas_src>
import functools

import jax
import jax.numpy as jnp
from jax import lax
from jax.experimental import pallas as pl
from jax.experimental.pallas import tpu as pltpu
from jax.experimental.pallas import tpu_sc as plsc

BATCH = 16384
DIM = 768
GATHER_CHUNK = 32
MM_BLOCK = 2048
SC_ROWS = 14336
OH_BLOCK = 2048
NUM_LBL = 1000


def _sc_dims():
    try:
        info = plsc.get_sparse_core_info()
        return info.num_cores, info.num_subcores
    except Exception:
        return 2, 16


def _make_gather(num_cores, num_subcores, sc_rows, batch, dim):
    num_workers = num_cores * num_subcores
    per_worker = sc_rows // num_workers
    chunk = min(GATHER_CHUNK, per_worker)
    nchunks = per_worker // chunk
    mesh = plsc.VectorSubcoreMesh(core_axis_name="c", subcore_axis_name="s")

    @functools.partial(
        pl.kernel,
        mesh=mesh,
        out_type=jax.ShapeDtypeStruct((batch, dim), jnp.float32),
        scratch_types=[
            pltpu.VMEM((nchunks, chunk), jnp.int32),
            pltpu.VMEM((chunk, dim), jnp.float32),
            pltpu.VMEM((chunk, dim), jnp.float32),
            pltpu.VMEM_SHARED((num_subcores, 2, chunk, dim), jnp.float32),
            pltpu.SemaphoreType.DMA,
            pltpu.SemaphoreType.DMA,
            pltpu.SemaphoreType.DMA,
            pltpu.SemaphoreType.DMA,
            pltpu.SemaphoreType.DMA,
            pltpu.SemaphoreType.DMA,
        ],
    )
    def gather_kernel(table_hbm, idx_hbm, out_hbm, idx_v, rows0, rows1,
                      spmem, sg0, sg1, sh0, sh1, s20, s21):
        wid = lax.axis_index("s") * num_cores + lax.axis_index("c")
        sid = lax.axis_index("s")
        base = wid * per_worker
        pltpu.sync_copy(idx_hbm.at[wid], idx_v)

        rows = (rows0, rows1)
        sg = (sg0, sg1)
        sh = (sh0, sh1)
        s2 = (s20, s21)

        def gather(j):
            return pltpu.async_copy(
                table_hbm.at[idx_v.at[j]], rows[j % 2], sg[j % 2])

        def hop1(j):
            return pltpu.async_copy(
                rows[j % 2], spmem.at[sid, j % 2], sh[j % 2])

        def hop2(j):
            return pltpu.async_copy(
                spmem.at[sid, j % 2],
                out_hbm.at[pl.ds(base + j * chunk, chunk)],
                s2[j % 2])

        gd, h1d, h2d = {0: gather(0)}, {}, {}
        for j in range(nchunks):
            gd.pop(j).wait()
            if j - 2 >= 0:
                h2d.pop(j - 2).wait()
            h1d[j] = hop1(j)
            if j + 1 < nchunks:
                if j - 1 >= 0 and (j - 1) in h1d:
                    h1d.pop(j - 1).wait()
                gd[j + 1] = gather(j + 1)
            h1d.pop(j).wait()
            h2d[j] = hop2(j)
        for j in sorted(h2d):
            h2d.pop(j).wait()

    return gather_kernel


def _mm_body(x_ref, w_ref, b_ref, o_ref):
    o_ref[...] = (
        lax.dot_general(
            x_ref[...],
            w_ref[...],
            dimension_numbers=(((1,), (1,)), ((), ())),
            preferred_element_type=jnp.float32,
        )
        + b_ref[...]
    )


def _linear(x, w, b2d):
    batch, dim = x.shape
    grid = batch // MM_BLOCK
    return pl.pallas_call(
        _mm_body,
        grid=(grid,),
        in_specs=[
            pl.BlockSpec((MM_BLOCK, dim), lambda i: (i, 0)),
            pl.BlockSpec((dim, dim), lambda i: (0, 0)),
            pl.BlockSpec((1, dim), lambda i: (0, 0)),
        ],
        out_specs=pl.BlockSpec((MM_BLOCK, dim), lambda i: (i, 0)),
        out_shape=jax.ShapeDtypeStruct((batch, dim), jnp.float32),
    )(x, w, b2d)


def _onehot_body(txt_ref, lbl_ref, tbl_ref, o_ref):
    del txt_ref
    lbl = lbl_ref[0, :]
    iota = lax.broadcasted_iota(jnp.int32, (OH_BLOCK, NUM_LBL), 1)
    onehot = (iota == lbl[:, None]).astype(jnp.bfloat16)
    o_ref[...] = jnp.dot(onehot, tbl_ref[...].astype(jnp.bfloat16),
                         preferred_element_type=jnp.float32)


def _onehot_tail(sc_out, lbl3d, table, sc_rows):
    batch, dim = sc_out.shape
    tc_rows = batch - sc_rows
    return pl.pallas_call(
        _onehot_body,
        grid=(tc_rows // OH_BLOCK,),
        in_specs=[
            pl.BlockSpec(memory_space=pl.ANY),
            pl.BlockSpec((1, OH_BLOCK),
                         lambda i: (0, sc_rows // OH_BLOCK + i)),
            pl.BlockSpec((NUM_LBL, dim), lambda i: (0, 0)),
        ],
        out_specs=pl.BlockSpec(
            (OH_BLOCK, dim), lambda i: (sc_rows // OH_BLOCK + i, 0)),
        out_shape=jax.ShapeDtypeStruct((batch, dim), jnp.float32),
        input_output_aliases={0: 0},
    )(sc_out, lbl3d, table)


def kernel(inputs, labels, W, b, text_embeds):
    num_cores, num_subcores = _sc_dims()
    gather_fn = _make_gather(num_cores, num_subcores, SC_ROWS, BATCH, DIM)
    labels32 = labels.astype(jnp.int32)
    idx3d = labels32[:SC_ROWS].reshape(
        num_cores * num_subcores, -1, GATHER_CHUNK)
    sc_out = gather_fn(text_embeds, idx3d)
    lbl2d = labels32.reshape(1, BATCH)
    text_outputs = _onehot_tail(sc_out, lbl2d, text_embeds, SC_ROWS)
    image_outputs = _linear(inputs, W, b.reshape(1, DIM))
    return (image_outputs, text_outputs)

# --- scband reference (transcript-rebuilt; emitter-appended) ---
"""Pipeline reference for scband-text-wrapper-2087354106386 (READ-ONLY COPY).

The authoritative reference and input builder live on the scoring server;
editing this copy changes nothing except your own understanding.
"""

import jax, jax.numpy as jnp
import numpy as np

BATCH = 16384
DIM = 768
NUM_LABELS = 1000


def setup_inputs(seed: int = 0) -> dict:
    key = jax.random.key(seed)
    k1, k2, k3, k4 = jax.random.split(key, 4)
    inputs = jax.random.normal(k1, (BATCH, DIM), dtype=jnp.float32)
    labels = jax.random.randint(k2, (BATCH,), 0, NUM_LABELS, dtype=jnp.int64 if jax.config.jax_enable_x64 else jnp.int32)
    # base_mapper modeled as nn.Linear(768, 768): y = x @ W.T + b
    W = jax.random.normal(k3, (DIM, DIM), dtype=jnp.float32) * 0.02
    b = jnp.zeros((DIM,), dtype=jnp.float32)
    # frozen CLIP text embeddings for 1000 ImageNet classes
    text_embeds = jax.random.normal(k4, (NUM_LABELS, DIM), dtype=jnp.float32)
    return {"inputs": inputs, "labels": labels, "W": W, "b": b, "text_embeds": text_embeds}


def reference(inputs, labels, W, b, text_embeds):
    # image_outputs = self.base_mapper(inputs)  (Linear)
    image_outputs = jnp.dot(inputs, W.T) + b
    # text_outputs = self.text_embeds[labels, :]  (embedding gather)
    text_outputs = jnp.take(text_embeds, labels, axis=0)
    return (image_outputs, text_outputs)

if __name__ == "__main__":
    import jax
    _d = setup_inputs()
    print(jax.jit(kernel)(*tuple(_d.values())))

</pallas_src>

<mosaic_0001>
#map = affine_map<(d0, d1) -> (0, 0)>
#map1 = affine_map<(d0, d1) -> (0, 0, 0)>
module attributes {stable_mosaic.version = 14 : i64} {
  func.func @gather_kernel(%arg0: i32, %arg1: i32, %arg2: memref<1000x768xf32, #tpu.memory_space<hbm>>, %arg3: memref<32x14x32xi32, #tpu.memory_space<hbm>>, %arg4: memref<16384x768xf32, #tpu.memory_space<hbm>>, %arg5: memref<14x32xi32, #tpu.memory_space<vmem>>, %arg6: memref<32x768xf32, #tpu.memory_space<vmem>>, %arg7: memref<32x768xf32, #tpu.memory_space<vmem>>, %arg8: memref<16x2x32x768xf32, #tpu.memory_space<vmem_shared>>, %arg9: memref<!tpu.dma_semaphore, #tpu.memory_space<semaphore_mem>>, %arg10: memref<!tpu.dma_semaphore, #tpu.memory_space<semaphore_mem>>, %arg11: memref<!tpu.dma_semaphore, #tpu.memory_space<semaphore_mem>>, %arg12: memref<!tpu.dma_semaphore, #tpu.memory_space<semaphore_mem>>, %arg13: memref<!tpu.dma_semaphore, #tpu.memory_space<semaphore_mem>>, %arg14: memref<!tpu.dma_semaphore, #tpu.memory_space<semaphore_mem>>) attributes {dimension_semantics = [#tpu.dimension_semantics<core_parallel>, #tpu.dimension_semantics<subcore_parallel>], iteration_bounds = array<i64: 2, 16>, scalar_prefetch = 0 : i64, scratch_operands = 10 : i64, tpu.core_type = #tpu.core_type<sc_vector_subcore>, window_params = [{transform_indices = #map}, {transform_indices = #map1}, {transform_indices = #map}]} {
    %mul3A = arith.constant 2 : i32
    %mul3A_0 = arith.muli %arg1, %mul3A : i32
    %add3A = arith.addi %mul3A_0, %arg0 : i32
    %mul3A_1 = arith.constant 448 : i32
    %mul3A_2 = arith.muli %add3A, %mul3A_1 : i32
    "tpu.region"() ({
      %run_scoped3A = tpu.sem_alloc : memref<!tpu.dma_semaphore, #tpu.memory_space<semaphore_mem>>
      %dma_start3A_673 = arith.constant 0 : i32
      %dma_start3A_674 = arith.constant 0 : i32
      %dma_start3A_675 = tpu.memref_slice %arg3[%add3A, %dma_start3A_673, %dma_start3A_674] : memref<32x14x32xi32, #tpu.memory_space<hbm>> -> memref<1x14x32xi32, #tpu.memory_space<hbm>>
      %dma_start3A_676 = tpu.memref_squeeze %dma_start3A_675 : memref<1x14x32xi32, #tpu.memory_space<hbm>> -> memref<14x32xi32, #tpu.memory_space<hbm>>
      %dma_start3A_677 = arith.constant 0 : i32
      %dma_start3A_678 = arith.constant 0 : i32
      %dma_start3A_679 = tpu.memref_slice %arg3[%add3A, %dma_start3A_677, %dma_start3A_678] : memref<32x14x32xi32, #tpu.memory_space<hbm>> -> memref<1x14x32xi32, #tpu.memory_space<hbm>>
      %dma_start3A_680 = tpu.memref_squeeze %dma_start3A_679 : memref<1x14x32xi32, #tpu.memory_space<hbm>> -> memref<14x32xi32, #tpu.memory_space<hbm>>
      tpu.enqueue_dma source(%dma_start3A_680 : memref<14x32xi32, #tpu.memory_space<hbm>>) target(%arg5 : memref<14x32xi32, #tpu.memory_space<vmem>>) target_semaphore(%run_scoped3A : memref<!tpu.dma_semaphore, #tpu.memory_space<semaphore_mem>>)
      %dma_wait3A_681 = arith.constant 0 : i32
      %dma_wait3A_682 = arith.constant 0 : i32
      %dma_wait3A_683 = tpu.memref_slice %arg3[%add3A, %dma_wait3A_681, %dma_wait3A_682] : memref<32x14x32xi32, #tpu.memory_space<hbm>> -> memref<1x14x32xi32, #tpu.memory_space<hbm>>
      %dma_wait3A_684 = tpu.memref_squeeze %dma_wait3A_683 : memref<1x14x32xi32, #tpu.memory_space<hbm>> -> memref<14x32xi32, #tpu.memory_space<hbm>>
      %dma_wait3A_685 = arith.constant 0 : i32
      %dma_wait3A_686 = arith.constant 0 : i32
      %dma_wait3A_687 = tpu.memref_slice %arg3[%add3A, %dma_wait3A_685, %dma_wait3A_686] : memref<32x14x32xi32, #tpu.memory_space<hbm>> -> memref<1x14x32xi32, #tpu.memory_space<hbm>>
      %dma_wait3A_688 = tpu.memref_squeeze %dma_wait3A_687 : memref<1x14x32xi32, #tpu.memory_space<hbm>> -> memref<14x32xi32, #tpu.memory_space<hbm>>
      tpu.wait_dma2 semaphore(%run_scoped3A : memref<!tpu.dma_semaphore, #tpu.memory_space<semaphore_mem>>) src(%dma_wait3A_688 : memref<14x32xi32, #tpu.memory_space<hbm>>) dst(%arg5 : memref<14x32xi32, #tpu.memory_space<vmem>>)
      tpu.yield
    }) : () -> ()
    %dma_start3A = arith.constant 0 : i32
    %dma_start3A_3 = arith.constant 0 : i32
    %dma_start3A_4 = tpu.memref_slice %arg5[%dma_start3A, %dma_start3A_3] : memref<14x32xi32, #tpu.memory_space<vmem>> -> memref<1x32xi32, #tpu.memory_space<vmem>>
    %dma_start3A_5 = tpu.memref_squeeze %dma_start3A_4 : memref<1x32xi32, #tpu.memory_space<vmem>> -> memref<32xi32, #tpu.memory_space<vmem>>
    %dma_start3A_6 = arith.constant 0 : i32
    %dma_start3A_7 = arith.constant 0 : i32
    %dma_start3A_8 = tpu.memref_slice %arg2[%dma_start3A_6, %dma_start3A_7] : memref<1000x768xf32, #tpu.memory_space<hbm>> -> memref<1000x768xf32, #tpu.memory_space<hbm>>
    tpu.enqueue_indirect_dma source(%dma_start3A_8 : memref<1000x768xf32, #tpu.memory_space<hbm>>) target(%arg6 : memref<32x768xf32, #tpu.memory_space<vmem>>) offsets(%dma_start3A_5 : memref<32xi32, #tpu.memory_space<vmem>>) semaphore(%arg9 : memref<!tpu.dma_semaphore, #tpu.memory_space<semaphore_mem>>)
    %dma_wait3A = arith.constant 0 : i32
    %dma_wait3A_9 = arith.constant 0 : i32
    %dma_wait3A_10 = tpu.memref_slice %arg5[%dma_wait3A, %dma_wait3A_9] : memref<14x32xi32, #tpu.memory_space<vmem>> -> memref<1x32xi32, #tpu.memory_space<vmem>>
    %dma_wait3A_11 = tpu.memref_squeeze %dma_wait3A_10 : memref<1x32xi32, #tpu.memory_space<vmem>> -> memref<32xi32, #tpu.memory_space<vmem>>
    %dma_wait3A_12 = arith.constant 0 : i32
    %dma_wait3A_13 = arith.constant 0 : i32
    %dma_wait3A_14 = tpu.memref_slice %arg2[%dma_wait3A_12, %dma_wait3A_13] : memref<1000x768xf32, #tpu.memory_space<hbm>> -> memref<1000x768xf32, #tpu.memory_space<hbm>>
    tpu.wait_indirect_dma semaphore(%arg9 : memref<!tpu.dma_semaphore, #tpu.memory_space<semaphore_mem>>) src(%dma_wait3A_14 : memref<1000x768xf32, #tpu.memory_space<hbm>>) dst(%arg6 : memref<32x768xf32, #tpu.memory_space<vmem>>)
    %dma_start3A_15 = arith.constant 0 : i32
    %dma_start3A_16 = arith.constant 0 : i32
    %dma_start3A_17 = arith.constant 0 : i32
    %dma_start3A_18 = tpu.memref_slice %arg8[%arg1, %dma_start3A_15, %dma_start3A_16, %dma_start3A_17] : memref<16x2x32x768xf32, #tpu.memory_space<vmem_shared>> -> memref<1x1x32x768xf32, #tpu.memory_space<vmem_shared>>
    %dma_start3A_19 = tpu.memref_squeeze %dma_start3A_18 : memref<1x1x32x768xf32, #tpu.memory_space<vmem_shared>> -> memref<32x768xf32, #tpu.memory_space<vmem_shared>>
    %dma_start3A_20 = arith.constant 0 : i32
    %dma_start3A_21 = arith.constant 0 : i32
    %dma_start3A_22 = tpu.memref_slice %arg8[%arg1, %dma_start3A_15, %dma_start3A_20, %dma_start3A_21] : memref<16x2x32x768xf32, #tpu.memory_space<vmem_shared>> -> memref<1x1x32x768xf32, #tpu.memory_space<vmem_shared>>
    %dma_start3A_23 = tpu.memref_squeeze %dma_start3A_22 : memref<1x1x32x768xf32, #tpu.memory_space<vmem_shared>> -> memref<32x768xf32, #tpu.memory_space<vmem_shared>>
    tpu.enqueue_dma source(%arg6 : memref<32x768xf32, #tpu.memory_space<vmem>>) target(%dma_start3A_23 : memref<32x768xf32, #tpu.memory_space<vmem_shared>>) target_semaphore(%arg11 : memref<!tpu.dma_semaphore, #tpu.memory_space<semaphore_mem>>)
    %dma_start3A_24 = arith.constant 1 : i32
    %dma_start3A_25 = arith.constant 0 : i32
    %dma_start3A_26 = tpu.memref_slice %arg5[%dma_start3A_24, %dma_start3A_25] : memref<14x32xi32, #tpu.memory_space<vmem>> -> memref<1x32xi32, #tpu.memory_space<vmem>>
    %dma_start3A_27 = tpu.memref_squeeze %dma_start3A_26 : memref<1x32xi32, #tpu.memory_space<vmem>> -> memref<32xi32, #tpu.memory_space<vmem>>
    %dma_start3A_28 = arith.constant 0 : i32
    %dma_start3A_29 = arith.constant 0 : i32
    %dma_start3A_30 = tpu.memref_slice %arg2[%dma_start3A_28, %dma_start3A_29] : memref<1000x768xf32, #tpu.memory_space<hbm>> -> memref<1000x768xf32, #tpu.memory_space<hbm>>
    tpu.enqueue_indirect_dma source(%dma_start3A_30 : memref<1000x768xf32, #tpu.memory_space<hbm>>) target(%arg7 : memref<32x768xf32, #tpu.memory_space<vmem>>) offsets(%dma_start3A_27 : memref<32xi32, #tpu.memory_space<vmem>>) semaphore(%arg10 : memref<!tpu.dma_semaphore, #tpu.memory_space<semaphore_mem>>)
    %dma_wait3A_31 = arith.constant 0 : i32
    %dma_wait3A_32 = arith.constant 0 : i32
    %dma_wait3A_33 = arith.constant 0 : i32
    %dma_wait3A_34 = tpu.memref_slice %arg8[%arg1, %dma_wait3A_31, %dma_wait3A_32, %dma_wait3A_33] : memref<16x2x32x768xf32, #tpu.memory_space<vmem_shared>> -> memref<1x1x32x768xf32, #tpu.memory_space<vmem_shared>>
    %dma_wait3A_35 = tpu.memref_squeeze %dma_wait3A_34 : memref<1x1x32x768xf32, #tpu.memory_space<vmem_shared>> -> memref<32x768xf32, #tpu.memory_space<vmem_shared>>
    %dma_wait3A_36 = arith.constant 0 : i32
    %dma_wait3A_37 = arith.constant 0 : i32
    %dma_wait3A_38 = tpu.memref_slice %arg8[%arg1, %dma_wait3A_31, %dma_wait3A_36, %dma_wait3A_37] : memref<16x2x32x768xf32, #tpu.memory_space<vmem_shared>> -> memref<1x1x32x768xf32, #tpu.memory_space<vmem_shared>>
    %dma_wait3A_39 = tpu.memref_squeeze %dma_wait3A_38 : memref<1x1x32x768xf32, #tpu.memory_space<vmem_shared>> -> memref<32x768xf32, #tpu.memory_space<vmem_shared>>
    tpu.wait_dma2 semaphore(%arg11 : memref<!tpu.dma_semaphore, #tpu.memory_space<semaphore_mem>>) src(%arg6 : memref<32x768xf32, #tpu.memory_space<vmem>>) dst(%dma_wait3A_39 : memref<32x768xf32, #tpu.memory_space<vmem_shared>>)
    %add3A_40 = arith.constant 0 : i32
    %add3A_41 = arith.addi %mul3A_2, %add3A_40 : i32
    %dma_start3A_42 = arith.constant 0 : i32
    %dma_start3A_43 = arith.constant 0 : i32
    %dma_start3A_44 = tpu.memref_slice %arg4[%add3A_41, %dma_start3A_43] : memref<16384x768xf32, #tpu.memory_space<hbm>> -> memref<32x768xf32, #tpu.memory_space<hbm>>
    %dma_start3A_45 = arith.constant 0 : i32
    %dma_start3A_46 = arith.constant 0 : i32
    %dma_start3A_47 = tpu.memref_slice %arg8[%arg1, %dma_start3A_42, %dma_start3A_45, %dma_start3A_46] : memref<16x2x32x768xf32, #tpu.memory_space<vmem_shared>> -> memref<1x1x32x768xf32, #tpu.memory_space<vmem_shared>>
    %dma_start3A_48 = tpu.memref_squeeze %dma_start3A_47 : memref<1x1x32x768xf32, #tpu.memory_space<vmem_shared>> -> memref<32x768xf32, #tpu.memory_space<vmem_shared>>
    tpu.enqueue_dma source(%dma_start3A_48 : memref<32x768xf32, #tpu.memory_space<vmem_shared>>) target(%dma_start3A_44 : memref<32x768xf32, #tpu.memory_space<hbm>>) target_semaphore(%arg13 : memref<!tpu.dma_semaphore, #tpu.memory_space<semaphore_mem>>)
    %dma_wait3A_49 = arith.constant 1 : i32
    %dma_wait3A_50 = arith.constant 0 : i32
    %dma_wait3A_51 = tpu.memref_slice %arg5[%dma_wait3A_49, %dma_wait3A_50] : memref<14x32xi32, #tpu.memory_space<vmem>> -> memref<1x32xi32, #tpu.memory_space<vmem>>
    %dma_wait3A_52 = tpu.memref_squeeze %dma_wait3A_51 : memref<1x32xi32, #tpu.memory_space<vmem>> -> memref<32xi32, #tpu.memory_space<vmem>>
    %dma_wait3A_53 = arith.constant 0 : i32
    %dma_wait3A_54 = arith.constant 0 : i32
    %dma_wait3A_55 = tpu.memref_slice %arg2[%dma_wait3A_53, %dma_wait3A_54] : memref<1000x768xf32, #tpu.memory_space<hbm>> -> memref<1000x768xf32, #tpu.memory_space<hbm>>
    tpu.wait_indirect_dma semaphore(%arg10 : memref<!tpu.dma_semaphore, #tpu.memory_space<semaphore_mem>>) src(%dma_wait3A_55 : memref<1000x768xf32, #tpu.memory_space<hbm>>) dst(%arg7 : memref<32x768xf32, #tpu.memory_space<vmem>>)
    %dma_start3A_56 = arith.constant 1 : i32
    %dma_start3A_57 = arith.constant 0 : i32
    %dma_start3A_58 = arith.constant 0 : i32
    %dma_start3A_59 = tpu.memref_slice %arg8[%arg1, %dma_start3A_56, %dma_start3A_57, %dma_start3A_58] : memref<16x2x32x768xf32, #tpu.memory_space<vmem_shared>> -> memref<1x1x32x768xf32, #tpu.memory_space<vmem_shared>>
    %dma_start3A_60 = tpu.memref_squeeze %dma_start3A_59 : memref<1x1x32x768xf32, #tpu.memory_space<vmem_shared>> -> memref<32x768xf32, #tpu.memory_space<vmem_shared>>
    %dma_start3A_61 = arith.constant 0 : i32
    %dma_start3A_62 = arith.constant 0 : i32
    %dma_start3A_63 = tpu.memref_slice %arg8[%arg1, %dma_start3A_56, %dma_start3A_61, %dma_start3A_62] : memref<16x2x32x768xf32, #tpu.memory_space<vmem_shared>> -> memref<1x1x32x768xf32, #tpu.memory_space<vmem_shared>>
    %dma_start3A_64 = tpu.memref_squeeze %dma_start3A_63 : memref<1x1x32x768xf32, #tpu.memory_space<vmem_shared>> -> memref<32x768xf32, #tpu.memory_space<vmem_shared>>
    tpu.enqueue_dma source(%arg7 : memref<32x768xf32, #tpu.memory_space<vmem>>) target(%dma_start3A_64 : memref<32x768xf32, #tpu.memory_space<vmem_shared>>) target_semaphore(%arg12 : memref<!tpu.dma_semaphore, #tpu.memory_space<semaphore_mem>>)
    %dma_start3A_65 = arith.constant 2 : i32
    %dma_start3A_66 = arith.constant 0 : i32
    %dma_start3A_67 = tpu.memref_slice %arg5[%dma_start3A_65, %dma_start3A_66] : memref<14x32xi32, #tpu.memory_space<vmem>> -> memref<1x32xi32, #tpu.memory_space<vmem>>
    %dma_start3A_68 = tpu.memref_squeeze %dma_start3A_67 : memref<1x32xi32, #tpu.memory_space<vmem>> -> memref<32xi32, #tpu.memory_space<vmem>>
    %dma_start3A_69 = arith.constant 0 : i32
    %dma_start3A_70 = arith.constant 0 : i32
    %dma_start3A_71 = tpu.memref_slice %arg2[%dma_start3A_69, %dma_start3A_70] : memref<1000x768xf32, #tpu.memory_space<hbm>> -> memref<1000x768xf32, #tpu.memory_space<hbm>>
    tpu.enqueue_indirect_dma source(%dma_start3A_71 : memref<1000x768xf32, #tpu.memory_space<hbm>>) target(%arg6 : memref<32x768xf32, #tpu.memory_space<vmem>>) offsets(%dma_start3A_68 : memref<32xi32, #tpu.memory_space<vmem>>) semaphore(%arg9 : memref<!tpu.dma_semaphore, #tpu.memory_space<semaphore_mem>>)
    %dma_wait3A_72 = arith.constant 1 : i32
    %dma_wait3A_73 = arith.constant 0 : i32
    %dma_wait3A_74 = arith.constant 0 : i32
    %dma_wait3A_75 = tpu.memref_slice %arg8[%arg1, %dma_wait3A_72, %dma_wait3A_73, %dma_wait3A_74] : memref<16x2x32x768xf32, #tpu.memory_space<vmem_shared>> -> memref<1x1x32x768xf32, #tpu.memory_space<vmem_shared>>
    %dma_wait3A_76 = tpu.memref_squeeze %dma_wait3A_75 : memref<1x1x32x768xf32, #tpu.memory_space<vmem_shared>> -> memref<32x768xf32, #tpu.memory_space<vmem_shared>>
    %dma_wait3A_77 = arith.constant 0 : i32
    %dma_wait3A_78 = arith.constant 0 : i32
    %dma_wait3A_79 = tpu.memref_slice %arg8[%arg1, %dma_wait3A_72, %dma_wait3A_77, %dma_wait3A_78] : memref<16x2x32x768xf32, #tpu.memory_space<vmem_shared>> -> memref<1x1x32x768xf32, #tpu.memory_space<vmem_shared>>
    %dma_wait3A_80 = tpu.memref_squeeze %dma_wait3A_79 : memref<1x1x32x768xf32, #tpu.memory_space<vmem_shared>> -> memref<32x768xf32, #tpu.memory_space<vmem_shared>>
    tpu.wait_dma2 semaphore(%arg12 : memref<!tpu.dma_semaphore, #tpu.memory_space<semaphore_mem>>) src(%arg7 : memref<32x768xf32, #tpu.memory_space<vmem>>) dst(%dma_wait3A_80 : memref<32x768xf32, #tpu.memory_space<vmem_shared>>)
    %add3A_81 = arith.constant 32 : i32
    %add3A_82 = arith.addi %mul3A_2, %add3A_81 : i32
    %dma_start3A_83 = arith.constant 1 : i32
    %dma_start3A_84 = arith.constant 0 : i32
    %dma_start3A_85 = tpu.memref_slice %arg4[%add3A_82, %dma_start3A_84] : memref<16384x768xf32, #tpu.memory_space<hbm>> -> memref<32x768xf32, #tpu.memory_space<hbm>>
    %dma_start3A_86 = arith.constant 0 : i32
    %dma_start3A_87 = arith.constant 0 : i32
    %dma_start3A_88 = tpu.memref_slice %arg8[%arg1, %dma_start3A_83, %dma_start3A_86, %dma_start3A_87] : memref<16x2x32x768xf32, #tpu.memory_space<vmem_shared>> -> memref<1x1x32x768xf32, #tpu.memory_space<vmem_shared>>
    %dma_start3A_89 = tpu.memref_squeeze %dma_start3A_88 : memref<1x1x32x768xf32, #tpu.memory_space<vmem_shared>> -> memref<32x768xf32, #tpu.memory_space<vmem_shared>>
    tpu.enqueue_dma source(%dma_start3A_89 : memref<32x768xf32, #tpu.memory_space<vmem_shared>>) target(%dma_start3A_85 : memref<32x768xf32, #tpu.memory_space<hbm>>) target_semaphore(%arg14 : memref<!tpu.dma_semaphore, #tpu.memory_space<semaphore_mem>>)
    %dma_wait3A_90 = arith.constant 2 : i32
    %dma_wait3A_91 = arith.constant 0 : i32
    %dma_wait3A_92 = tpu.memref_slice %arg5[%dma_wait3A_90, %dma_wait3A_91] : memref<14x32xi32, #tpu.memory_space<vmem>> -> memref<1x32xi32, #tpu.memory_space<vmem>>
    %dma_wait3A_93 = tpu.memref_squeeze %dma_wait3A_92 : memref<1x32xi32, #tpu.memory_space<vmem>> -> memref<32xi32, #tpu.memory_space<vmem>>
    %dma_wait3A_94 = arith.constant 0 : i32
    %dma_wait3A_95 = arith.constant 0 : i32
    %dma_wait3A_96 = tpu.memref_slice %arg2[%dma_wait3A_94, %dma_wait3A_95] : memref<1000x768xf32, #tpu.memory_space<hbm>> -> memref<1000x768xf32, #tpu.memory_space<hbm>>
    tpu.wait_indirect_dma semaphore(%arg9 : memref<!tpu.dma_semaphore, #tpu.memory_space<semaphore_mem>>) src(%dma_wait3A_96 : memref<1000x768xf32, #tpu.memory_space<hbm>>) dst(%arg6 : memref<32x768xf32, #tpu.memory_space<vmem>>)
    %dma_wait3A_97 = arith.constant 0 : i32
    %dma_wait3A_98 = arith.constant 0 : i32
    %dma_wait3A_99 = tpu.memref_slice %arg4[%add3A_41, %dma_wait3A_98] : memref<16384x768xf32, #tpu.memory_space<hbm>> -> memref<32x768xf32, #tpu.memory_space<hbm>>
    %dma_wait3A_100 = arith.constant 0 : i32
    %dma_wait3A_101 = arith.constant 0 : i32
    %dma_wait3A_102 = tpu.memref_slice %arg8[%arg1, %dma_wait3A_97, %dma_wait3A_100, %dma_wait3A_101] : memref<16x2x32x768xf32, #tpu.memory_space<vmem_shared>> -> memref<1x1x32x768xf32, #tpu.memory_space<vmem_shared>>
    %dma_wait3A_103 = tpu.memref_squeeze %dma_wait3A_102 : memref<1x1x32x768xf32, #tpu.memory_space<vmem_shared>> -> memref<32x768xf32, #tpu.memory_space<vmem_shared>>
    tpu.wait_dma2 semaphore(%arg13 : memref<!tpu.dma_semaphore, #tpu.memory_space<semaphore_mem>>) src(%dma_wait3A_103 : memref<32x768xf32, #tpu.memory_space<vmem_shared>>) dst(%dma_wait3A_99 : memref<32x768xf32, #tpu.memory_space<hbm>>)
    %dma_start3A_104 = arith.constant 0 : i32
    %dma_start3A_105 = arith.constant 0 : i32
    %dma_start3A_106 = arith.constant 0 : i32
    %dma_start3A_107 = tpu.memref_slice %arg8[%arg1, %dma_start3A_104, %dma_start3A_105, %dma_start3A_106] : memref<16x2x32x768xf32, #tpu.memory_space<vmem_shared>> -> memref<1x1x32x768xf32, #tpu.memory_space<vmem_shared>>
    %dma_start3A_108 = tpu.memref_squeeze %dma_start3A_107 : memref<1x1x32x768xf32, #tpu.memory_space<vmem_shared>> -> memref<32x768xf32, #tpu.memory_space<vmem_shared>>
    %dma_start3A_109 = arith.constant 0 : i32
    %dma_start3A_110 = arith.constant 0 : i32
    %dma_start3A_111 = tpu.memref_slice %arg8[%arg1, %dma_start3A_104, %dma_start3A_109, %dma_start3A_110] : memref<16x2x32x768xf32, #tpu.memory_space<vmem_shared>> -> memref<1x1x32x768xf32, #tpu.memory_space<vmem_shared>>
    %dma_start3A_112 = tpu.memref_squeeze %dma_start3A_111 : memref<1x1x32x768xf32, #tpu.memory_space<vmem_shared>> -> memref<32x768xf32, #tpu.memory_space<vmem_shared>>
    tpu.enqueue_dma source(%arg6 : memref<32x768xf32, #tpu.memory_space<vmem>>) target(%dma_start3A_112 : memref<32x768xf32, #tpu.memory_space<vmem_shared>>) target_semaphore(%arg11 : memref<!tpu.dma_semaphore, #tpu.memory_space<semaphore_mem>>)
    %dma_start3A_113 = arith.constant 3 : i32
    %dma_start3A_114 = arith.constant 0 : i32
    %dma_start3A_115 = tpu.memref_slice %arg5[%dma_start3A_113, %dma_start3A_114] : memref<14x32xi32, #tpu.memory_space<vmem>> -> memref<1x32xi32, #tpu.memory_space<vmem>>
    %dma_start3A_116 = tpu.memref_squeeze %dma_start3A_115 : memref<1x32xi32, #tpu.memory_space<vmem>> -> memref<32xi32, #tpu.memory_space<vmem>>
    %dma_start3A_117 = arith.constant 0 : i32
    %dma_start3A_118 = arith.constant 0 : i32
    %dma_start3A_119 = tpu.memref_slice %arg2[%dma_start3A_117, %dma_start3A_118] : memref<1000x768xf32, #tpu.memory_space<hbm>> -> memref<1000x768xf32, #tpu.memory_space<hbm>>
    tpu.enqueue_indirect_dma source(%dma_start3A_119 : memref<1000x768xf32, #tpu.memory_space<hbm>>) target(%arg7 : memref<32x768xf32, #tpu.memory_space<vmem>>) offsets(%dma_start3A_116 : memref<32xi32, #tpu.memory_space<vmem>>) semaphore(%arg10 : memref<!tpu.dma_semaphore, #tpu.memory_space<semaphore_mem>>)
    %dma_wait3A_120 = arith.constant 0 : i32
    %dma_wait3A_121 = arith.constant 0 : i32
    %dma_wait3A_122 = arith.constant 0 : i32
    %dma_wait3A_123 = tpu.memref_slice %arg8[%arg1, %dma_wait3A_120, %dma_wait3A_121, %dma_wait3A_122] : memref<16x2x32x768xf32, #tpu.memory_space<vmem_shared>> -> memref<1x1x32x768xf32, #tpu.memory_space<vmem_shared>>
    %dma_wait3A_124 = tpu.memref_squeeze %dma_wait3A_123 : memref<1x1x32x768xf32, #tpu.memory_space<vmem_shared>> -> memref<32x768xf32, #tpu.memory_space<vmem_shared>>
    %dma_wait3A_125 = arith.constant 0 : i32
    %dma_wait3A_126 = arith.constant 0 : i32
    %dma_wait3A_127 = tpu.memref_slice %arg8[%arg1, %dma_wait3A_120, %dma_wait3A_125, %dma_wait3A_126] : memref<16x2x32x768xf32, #tpu.memory_space<vmem_shared>> -> memref<1x1x32x768xf32, #tpu.memory_space<vmem_shared>>
    %dma_wait3A_128 = tpu.memref_squeeze %dma_wait3A_127 : memref<1x1x32x768xf32, #tpu.memory_space<vmem_shared>> -> memref<32x768xf32, #tpu.memory_space<vmem_shared>>
    tpu.wait_dma2 semaphore(%arg11 : memref<!tpu.dma_semaphore, #tpu.memory_space<semaphore_mem>>) src(%arg6 : memref<32x768xf32, #tpu.memory_space<vmem>>) dst(%dma_wait3A_128 : memref<32x768xf32, #tpu.memory_space<vmem_shared>>)
    %add3A_129 = arith.constant 64 : i32
    %add3A_130 = arith.addi %mul3A_2, %add3A_129 : i32
    %dma_start3A_131 = arith.constant 0 : i32
    %dma_start3A_132 = arith.constant 0 : i32
    %dma_start3A_133 = tpu.memref_slice %arg4[%add3A_130, %dma_start3A_132] : memref<16384x768xf32, #tpu.memory_space<hbm>> -> memref<32x768xf32, #tpu.memory_space<hbm>>
    %dma_start3A_134 = arith.constant 0 : i32
    %dma_start3A_135 = arith.constant 0 : i32
    %dma_start3A_136 = tpu.memref_slice %arg8[%arg1, %dma_start3A_131, %dma_start3A_134, %dma_start3A_135] : memref<16x2x32x768xf32, #tpu.memory_space<vmem_shared>> -> memref<1x1x32x768xf32, #tpu.memory_space<vmem_shared>>
    %dma_start3A_137 = tpu.memref_squeeze %dma_start3A_136 : memref<1x1x32x768xf32, #tpu.memory_space<vmem_shared>> -> memref<32x768xf32, #tpu.memory_space<vmem_shared>>
    tpu.enqueue_dma source(%dma_start3A_137 : memref<32x768xf32, #tpu.memory_space<vmem_shared>>) target(%dma_start3A_133 : memref<32x768xf32, #tpu.memory_space<hbm>>) target_semaphore(%arg13 : memref<!tpu.dma_semaphore, #tpu.memory_space<semaphore_mem>>)
    %dma_wait3A_138 = arith.constant 3 : i32
    %dma_wait3A_139 = arith.constant 0 : i32
    %dma_wait3A_140 = tpu.memref_slice %arg5[%dma_wait3A_138, %dma_wait3A_139] : memref<14x32xi32, #tpu.memory_space<vmem>> -> memref<1x32xi32, #tpu.memory_space<vmem>>
    %dma_wait3A_141 = tpu.memref_squeeze %dma_wait3A_140 : memref<1x32xi32, #tpu.memory_space<vmem>> -> memref<32xi32, #tpu.memory_space<vmem>>
    %dma_wait3A_142 = arith.constant 0 : i32
    %dma_wait3A_143 = arith.constant 0 : i32
    %dma_wait3A_144 = tpu.memref_slice %arg2[%dma_wait3A_142, %dma_wait3A_143] : memref<1000x768xf32, #tpu.memory_space<hbm>> -> memref<1000x768xf32, #tpu.memory_space<hbm>>
    tpu.wait_indirect_dma semaphore(%arg10 : memref<!tpu.dma_semaphore, #tpu.memory_space<semaphore_mem>>) src(%dma_wait3A_144 : memref<1000x768xf32, #tpu.memory_space<hbm>>) dst(%arg7 : memref<32x768xf32, #tpu.memory_space<vmem>>)
    %dma_wait3A_145 = arith.constant 1 : i32
    %dma_wait3A_146 = arith.constant 0 : i32
    %dma_wait3A_147 = tpu.memref_slice %arg4[%add3A_82, %dma_wait3A_146] : memref<16384x768xf32, #tpu.memory_space<hbm>> -> memref<32x768xf32, #tpu.memory_space<hbm>>
    %dma_wait3A_148 = arith.constant 0 : i32
    %dma_wait3A_149 = arith.constant 0 : i32
    %dma_wait3A_150 = tpu.memref_slice %arg8[%arg1, %dma_wait3A_145, %dma_wait3A_148, %dma_wait3A_149] : memref<16x2x32x768xf32, #tpu.memory_space<vmem_shared>> -> memref<1x1x32x768xf32, #tpu.memory_space<vmem_shared>>
    %dma_wait3A_151 = tpu.memref_squeeze %dma_wait3A_150 : memref<1x1x32x768xf32, #tpu.memory_space<vmem_shared>> -> memref<32x768xf32, #tpu.memory_space<vmem_shared>>
    tpu.wait_dma2 semaphore(%arg14 : memref<!tpu.dma_semaphore, #tpu.memory_space<semaphore_mem>>) src(%dma_wait3A_151 : memref<32x768xf32, #tpu.memory_space<vmem_shared>>) dst(%dma_wait3A_147 : memref<32x768xf32, #tpu.memory_space<hbm>>)
    %dma_start3A_152 = arith.constant 1 : i32
    %dma_start3A_153 = arith.constant 0 : i32
    %dma_start3A_154 = arith.constant 0 : i32
    %dma_start3A_155 = tpu.memref_slice %arg8[%arg1, %dma_start3A_152, %dma_start3A_153, %dma_start3A_154] : memref<16x2x32x768xf32, #tpu.memory_space<vmem_shared>> -> memref<1x1x32x768xf32, #tpu.memory_space<vmem_shared>>
    %dma_start3A_156 = tpu.memref_squeeze %dma_start3A_155 : memref<1x1x32x768xf32, #tpu.memory_space<vmem_shared>> -> memref<32x768xf32, #tpu.memory_space<vmem_shared>>
    %dma_start3A_157 = arith.constant 0 : i32
    %dma_start3A_158 = arith.constant 0 : i32
    %dma_start3A_159 = tpu.memref_slice %arg8[%arg1, %dma_start3A_152, %dma_start3A_157, %dma_start3A_158] : memref<16x2x32x768xf32, #tpu.memory_space<vmem_shared>> -> memref<1x1x32x768xf32, #tpu.memory_space<vmem_shared>>
    %dma_start3A_160 = tpu.memref_squeeze %dma_start3A_159 : memref<1x1x32x768xf32, #tpu.memory_space<vmem_shared>> -> memref<32x768xf32, #tpu.memory_space<vmem_shared>>
    tpu.enqueue_dma source(%arg7 : memref<32x768xf32, #tpu.memory_space<vmem>>) target(%dma_start3A_160 : memref<32x768xf32, #tpu.memory_space<vmem_shared>>) target_semaphore(%arg12 : memref<!tpu.dma_semaphore, #tpu.memory_space<semaphore_mem>>)
    %dma_start3A_161 = arith.constant 4 : i32
    %dma_start3A_162 = arith.constant 0 : i32
    %dma_start3A_163 = tpu.memref_slice %arg5[%dma_start3A_161, %dma_start3A_162] : memref<14x32xi32, #tpu.memory_space<vmem>> -> memref<1x32xi32, #tpu.memory_space<vmem>>
    %dma_start3A_164 = tpu.memref_squeeze %dma_start3A_163 : memref<1x32xi32, #tpu.memory_space<vmem>> -> memref<32xi32, #tpu.memory_space<vmem>>
    %dma_start3A_165 = arith.constant 0 : i32
    %dma_start3A_166 = arith.constant 0 : i32
    %dma_start3A_167 = tpu.memref_slice %arg2[%dma_start3A_165, %dma_start3A_166] : memref<1000x768xf32, #tpu.memory_space<hbm>> -> memref<1000x768xf32, #tpu.memory_space<hbm>>
    tpu.enqueue_indirect_dma source(%dma_start3A_167 : memref<1000x768xf32, #tpu.memory_space<hbm>>) target(%arg6 : memref<32x768xf32, #tpu.memory_space<vmem>>) offsets(%dma_start3A_164 : memref<32xi32, #tpu.memory_space<vmem>>) semaphore(%arg9 : memref<!tpu.dma_semaphore, #tpu.memory_space<semaphore_mem>>)
    %dma_wait3A_168 = arith.constant 1 : i32
    %dma_wait3A_169 = arith.constant 0 : i32
    %dma_wait3A_170 = arith.constant 0 : i32
    %dma_wait3A_171 = tpu.memref_slice %arg8[%arg1, %dma_wait3A_168, %dma_wait3A_169, %dma_wait3A_170] : memref<16x2x32x768xf32, #tpu.memory_space<vmem_shared>> -> memref<1x1x32x768xf32, #tpu.memory_space<vmem_shared>>
    %dma_wait3A_172 = tpu.memref_squeeze %dma_wait3A_171 : memref<1x1x32x768xf32, #tpu.memory_space<vmem_shared>> -> memref<32x768xf32, #tpu.memory_space<vmem_shared>>
    %dma_wait3A_173 = arith.constant 0 : i32
    %dma_wait3A_174 = arith.constant 0 : i32
    %dma_wait3A_175 = tpu.memref_slice %arg8[%arg1, %dma_wait3A_168, %dma_wait3A_173, %dma_wait3A_174] : memref<16x2x32x768xf32, #tpu.memory_space<vmem_shared>> -> memref<1x1x32x768xf32, #tpu.memory_space<vmem_shared>>
    %dma_wait3A_176 = tpu.memref_squeeze %dma_wait3A_175 : memref<1x1x32x768xf32, #tpu.memory_space<vmem_shared>> -> memref<32x768xf32, #tpu.memory_space<vmem_shared>>
    tpu.wait_dma2 semaphore(%arg12 : memref<!tpu.dma_semaphore, #tpu.memory_space<semaphore_mem>>) src(%arg7 : memref<32x768xf32, #tpu.memory_space<vmem>>) dst(%dma_wait3A_176 : memref<32x768xf32, #tpu.memory_space<vmem_shared>>)
    %add3A_177 = arith.constant 96 : i32
    %add3A_178 = arith.addi %mul3A_2, %add3A_177 : i32
    %dma_start3A_179 = arith.constant 1 : i32
    %dma_start3A_180 = arith.constant 0 : i32
    %dma_start3A_181 = tpu.memref_slice %arg4[%add3A_178, %dma_start3A_180] : memref<16384x768xf32, #tpu.memory_space<hbm>> -> memref<32x768xf32, #tpu.memory_space<hbm>>
    %dma_start3A_182 = arith.constant 0 : i32
    %dma_start3A_183 = arith.constant 0 : i32
    %dma_start3A_184 = tpu.memref_slice %arg8[%arg1, %dma_start3A_179, %dma_start3A_182, %dma_start3A_183] : memref<16x2x32x768xf32, #tpu.memory_space<vmem_shared>> -> memref<1x1x32x768xf32, #tpu.memory_space<vmem_shared>>
    %dma_start3A_185 = tpu.memref_squeeze %dma_start3A_184 : memref<1x1x32x768xf32, #tpu.memory_space<vmem_shared>> -> memref<32x768xf32, #tpu.memory_space<vmem_shared>>
    tpu.enqueue_dma source(%dma_start3A_185 : memref<32x768xf32, #tpu.memory_space<vmem_shared>>) target(%dma_start3A_181 : memref<32x768xf32, #tpu.memory_space<hbm>>) target_semaphore(%arg14 : memref<!tpu.dma_semaphore, #tpu.memory_space<semaphore_mem>>)
    %dma_wait3A_186 = arith.constant 4 : i32
    %dma_wait3A_187 = arith.constant 0 : i32
    %dma_wait3A_188 = tpu.memref_slice %arg5[%dma_wait3A_186, %dma_wait3A_187] : memref<14x32xi32, #tpu.memory_space<vmem>> -> memref<1x32xi32, #tpu.memory_space<vmem>>
    %dma_wait3A_189 = tpu.memref_squeeze %dma_wait3A_188 : memref<1x32xi32, #tpu.memory_space<vmem>> -> memref<32xi32, #tpu.memory_space<vmem>>
    %dma_wait3A_190 = arith.constant 0 : i32
    %dma_wait3A_191 = arith.constant 0 : i32
    %dma_wait3A_192 = tpu.memref_slice %arg2[%dma_wait3A_190, %dma_wait3A_191] : memref<1000x768xf32, #tpu.memory_space<hbm>> -> memref<1000x768xf32, #tpu.memory_space<hbm>>
    tpu.wait_indirect_dma semaphore(%arg9 : memref<!tpu.dma_semaphore, #tpu.memory_space<semaphore_mem>>) src(%dma_wait3A_192 : memref<1000x768xf32, #tpu.memory_space<hbm>>) dst(%arg6 : memref<32x768xf32, #tpu.memory_space<vmem>>)
    %dma_wait3A_193 = arith.constant 0 : i32
    %dma_wait3A_194 = arith.constant 0 : i32
    %dma_wait3A_195 = tpu.memref_slice %arg4[%add3A_130, %dma_wait3A_194] : memref<16384x768xf32, #tpu.memory_space<hbm>> -> memref<32x768xf32, #tpu.memory_space<hbm>>
    %dma_wait3A_196 = arith.constant 0 : i32
    %dma_wait3A_197 = arith.constant 0 : i32
    %dma_wait3A_198 = tpu.memref_slice %arg8[%arg1, %dma_wait3A_193, %dma_wait3A_196, %dma_wait3A_197] : memref<16x2x32x768xf32, #tpu.memory_space<vmem_shared>> -> memref<1x1x32x768xf32, #tpu.memory_space<vmem_shared>>
    %dma_wait3A_199 = tpu.memref_squeeze %dma_wait3A_198 : memref<1x1x32x768xf32, #tpu.memory_space<vmem_shared>> -> memref<32x768xf32, #tpu.memory_space<vmem_shared>>
    tpu.wait_dma2 semaphore(%arg13 : memref<!tpu.dma_semaphore, #tpu.memory_space<semaphore_mem>>) src(%dma_wait3A_199 : memref<32x768xf32, #tpu.memory_space<vmem_shared>>) dst(%dma_wait3A_195 : memref<32x768xf32, #tpu.memory_space<hbm>>)
    %dma_start3A_200 = arith.constant 0 : i32
    %dma_start3A_201 = arith.constant 0 : i32
    %dma_start3A_202 = arith.constant 0 : i32
    %dma_start3A_203 = tpu.memref_slice %arg8[%arg1, %dma_start3A_200, %dma_start3A_201, %dma_start3A_202] : memref<16x2x32x768xf32, #tpu.memory_space<vmem_shared>> -> memref<1x1x32x768xf32, #tpu.memory_space<vmem_shared>>
    %dma_start3A_204 = tpu.memref_squeeze %dma_start3A_203 : memref<1x1x32x768xf32, #tpu.memory_space<vmem_shared>> -> memref<32x768xf32, #tpu.memory_space<vmem_shared>>
    %dma_start3A_205 = arith.constant 0 : i32
    %dma_start3A_206 = arith.constant 0 : i32
    %dma_start3A_207 = tpu.memref_slice %arg8[%arg1, %dma_start3A_200, %dma_start3A_205, %dma_start3A_206] : memref<16x2x32x768xf32, #tpu.memory_space<vmem_shared>> -> memref<1x1x32x768xf32, #tpu.memory_space<vmem_shared>>
    %dma_start3A_208 = tpu.memref_squeeze %dma_start3A_207 : memref<1x1x32x768xf32, #tpu.memory_space<vmem_shared>> -> memref<32x768xf32, #tpu.memory_space<vmem_shared>>
    tpu.enqueue_dma source(%arg6 : memref<32x768xf32, #tpu.memory_space<vmem>>) target(%dma_start3A_208 : memref<32x768xf32, #tpu.memory_space<vmem_shared>>) target_semaphore(%arg11 : memref<!tpu.dma_semaphore, #tpu.memory_space<semaphore_mem>>)
    %dma_start3A_209 = arith.constant 5 : i32
    %dma_start3A_210 = arith.constant 0 : i32
    %dma_start3A_211 = tpu.memref_slice %arg5[%dma_start3A_209, %dma_start3A_210] : memref<14x32xi32, #tpu.memory_space<vmem>> -> memref<1x32xi32, #tpu.memory_space<vmem>>
    %dma_start3A_212 = tpu.memref_squeeze %dma_start3A_211 : memref<1x32xi32, #tpu.memory_space<vmem>> -> memref<32xi32, #tpu.memory_space<vmem>>
    %dma_start3A_213 = arith.constant 0 : i32
    %dma_start3A_214 = arith.constant 0 : i32
    %dma_start3A_215 = tpu.memref_slice %arg2[%dma_start3A_213, %dma_start3A_214] : memref<1000x768xf32, #tpu.memory_space<hbm>> -> memref<1000x768xf32, #tpu.memory_space<hbm>>
    tpu.enqueue_indirect_dma source(%dma_start3A_215 : memref<1000x768xf32, #tpu.memory_space<hbm>>) target(%arg7 : memref<32x768xf32, #tpu.memory_space<vmem>>) offsets(%dma_start3A_212 : memref<32xi32, #tpu.memory_space<vmem>>) semaphore(%arg10 : memref<!tpu.dma_semaphore, #tpu.memory_space<semaphore_mem>>)
    %dma_wait3A_216 = arith.constant 0 : i32
    %dma_wait3A_217 = arith.constant 0 : i32
    %dma_wait3A_218 = arith.constant 0 : i32
    %dma_wait3A_219 = tpu.memref_slice %arg8[%arg1, %dma_wait3A_216, %dma_wait3A_217, %dma_wait3A_218] : memref<16x2x32x768xf32, #tpu.memory_space<vmem_shared>> -> memref<1x1x32x768xf32, #tpu.memory_space<vmem_shared>>
    %dma_wait3A_220 = tpu.memref_squeeze %dma_wait3A_219 : memref<1x1x32x768xf32, #tpu.memory_space<vmem_shared>> -> memref<32x768xf32, #tpu.memory_space<vmem_shared>>
    %dma_wait3A_221 = arith.constant 0 : i32
    %dma_wait3A_222 = arith.constant 0 : i32
    %dma_wait3A_223 = tpu.memref_slice %arg8[%arg1, %dma_wait3A_216, %dma_wait3A_221, %dma_wait3A_222] : memref<16x2x32x768xf32, #tpu.memory_space<vmem_shared>> -> memref<1x1x32x768xf32, #tpu.memory_space<vmem_shared>>
    %dma_wait3A_224 = tpu.memref_squeeze %dma_wait3A_223 : memref<1x1x32x768xf32, #tpu.memory_space<vmem_shared>> -> memref<32x768xf32, #tpu.memory_space<vmem_shared>>
    tpu.wait_dma2 semaphore(%arg11 : memref<!tpu.dma_semaphore, #tpu.memory_space<semaphore_mem>>) src(%arg6 : memref<32x768xf32, #tpu.memory_space<vmem>>) dst(%dma_wait3A_224 : memref<32x768xf32, #tpu.memory_space<vmem_shared>>)
    %add3A_225 = arith.constant 128 : i32
    %add3A_226 = arith.addi %mul3A_2, %add3A_225 : i32
    %dma_start3A_227 = arith.constant 0 : i32
    %dma_start3A_228 = arith.constant 0 : i32
    %dma_start3A_229 = tpu.memref_slice %arg4[%add3A_226, %dma_start3A_228] : memref<16384x768xf32, #tpu.memory_space<hbm>> -> memref<32x768xf32, #tpu.memory_space<hbm>>
    %dma_start3A_230 = arith.constant 0 : i32
    %dma_start3A_231 = arith.constant 0 : i32
    %dma_start3A_232 = tpu.memref_slice %arg8[%arg1, %dma_start3A_227, %dma_start3A_230, %dma_start3A_231] : memref<16x2x32x768xf32, #tpu.memory_space<vmem_shared>> -> memref<1x1x32x768xf32, #tpu.memory_space<vmem_shared>>
    %dma_start3A_233 = tpu.memref_squeeze %dma_start3A_232 : memref<1x1x32x768xf32, #tpu.memory_space<vmem_shared>> -> memref<32x768xf32, #tpu.memory_space<vmem_shared>>
    tpu.enqueue_dma source(%dma_start3A_233 : memref<32x768xf32, #tpu.memory_space<vmem_shared>>) target(%dma_start3A_229 : memref<32x768xf32, #tpu.memory_space<hbm>>) target_semaphore(%arg13 : memref<!tpu.dma_semaphore, #tpu.memory_space<semaphore_mem>>)
    %dma_wait3A_234 = arith.constant 5 : i32
    %dma_wait3A_235 = arith.constant 0 : i32
    %dma_wait3A_236 = tpu.memref_slice %arg5[%dma_wait3A_234, %dma_wait3A_235] : memref<14x32xi32, #tpu.memory_space<vmem>> -> memref<1x32xi32, #tpu.memory_space<vmem>>
    %dma_wait3A_237 = tpu.memref_squeeze %dma_wait3A_236 : memref<1x32xi32, #tpu.memory_space<vmem>> -> memref<32xi32, #tpu.memory_space<vmem>>
    %dma_wait3A_238 = arith.constant 0 : i32
    %dma_wait3A_239 = arith.constant 0 : i32
    %dma_wait3A_240 = tpu.memref_slice %arg2[%dma_wait3A_238, %dma_wait3A_239] : memref<1000x768xf32, #tpu.memory_space<hbm>> -> memref<1000x768xf32, #tpu.memory_space<hbm>>
    tpu.wait_indirect_dma semaphore(%arg10 : memref<!tpu.dma_semaphore, #tpu.memory_space<semaphore_mem>>) src(%dma_wait3A_240 : memref<1000x768xf32, #tpu.memory_space<hbm>>) dst(%arg7 : memref<32x768xf32, #tpu.memory_space<vmem>>)
    %dma_wait3A_241 = arith.constant 1 : i32
    %dma_wait3A_242 = arith.constant 0 : i32
    %dma_wait3A_243 = tpu.memref_slice %arg4[%add3A_178, %dma_wait3A_242] : memref<16384x768xf32, #tpu.memory_space<hbm>> -> memref<32x768xf32, #tpu.memory_space<hbm>>
    %dma_wait3A_244 = arith.constant 0 : i32
    %dma_wait3A_245 = arith.constant 0 : i32
    %dma_wait3A_246 = tpu.memref_slice %arg8[%arg1, %dma_wait3A_241, %dma_wait3A_244, %dma_wait3A_245] : memref<16x2x32x768xf32, #tpu.memory_space<vmem_shared>> -> memref<1x1x32x768xf32, #tpu.memory_space<vmem_shared>>
    %dma_wait3A_247 = tpu.memref_squeeze %dma_wait3A_246 : memref<1x1x32x768xf32, #tpu.memory_space<vmem_shared>> -> memref<32x768xf32, #tpu.memory_space<vmem_shared>>
    tpu.wait_dma2 semaphore(%arg14 : memref<!tpu.dma_semaphore, #tpu.memory_space<semaphore_mem>>) src(%dma_wait3A_247 : memref<32x768xf32, #tpu.memory_space<vmem_shared>>) dst(%dma_wait3A_243 : memref<32x768xf32, #tpu.memory_space<hbm>>)
    %dma_start3A_248 = arith.constant 1 : i32
    %dma_start3A_249 = arith.constant 0 : i32
    %dma_start3A_250 = arith.constant 0 : i32
    %dma_start3A_251 = tpu.memref_slice %arg8[%arg1, %dma_start3A_248, %dma_start3A_249, %dma_start3A_250] : memref<16x2x32x768xf32, #tpu.memory_space<vmem_shared>> -> memref<1x1x32x768xf32, #tpu.memory_space<vmem_shared>>
    %dma_start3A_252 = tpu.memref_squeeze %dma_start3A_251 : memref<1x1x32x768xf32, #tpu.memory_space<vmem_shared>> -> memref<32x768xf32, #tpu.memory_space<vmem_shared>>
    %dma_start3A_253 = arith.constant 0 : i32
    %dma_start3A_254 = arith.constant 0 : i32
    %dma_start3A_255 = tpu.memref_slice %arg8[%arg1, %dma_start3A_248, %dma_start3A_253, %dma_start3A_254] : memref<16x2x32x768xf32, #tpu.memory_space<vmem_shared>> -> memref<1x1x32x768xf32, #tpu.memory_space<vmem_shared>>
    %dma_start3A_256 = tpu.memref_squeeze %dma_start3A_255 : memref<1x1x32x768xf32, #tpu.memory_space<vmem_shared>> -> memref<32x768xf32, #tpu.memory_space<vmem_shared>>
    tpu.enqueue_dma source(%arg7 : memref<32x768xf32, #tpu.memory_space<vmem>>) target(%dma_start3A_256 : memref<32x768xf32, #tpu.memory_space<vmem_shared>>) target_semaphore(%arg12 : memref<!tpu.dma_semaphore, #tpu.memory_space<semaphore_mem>>)
    %dma_start3A_257 = arith.constant 6 : i32
    %dma_start3A_258 = arith.constant 0 : i32
    %dma_start3A_259 = tpu.memref_slice %arg5[%dma_start3A_257, %dma_start3A_258] : memref<14x32xi32, #tpu.memory_space<vmem>> -> memref<1x32xi32, #tpu.memory_space<vmem>>
    %dma_start3A_260 = tpu.memref_squeeze %dma_start3A_259 : memref<1x32xi32, #tpu.memory_space<vmem>> -> memref<32xi32, #tpu.memory_space<vmem>>
    %dma_start3A_261 = arith.constant 0 : i32
    %dma_start3A_262 = arith.constant 0 : i32
    %dma_start3A_263 = tpu.memref_slice %arg2[%dma_start3A_261, %dma_start3A_262] : memref<1000x768xf32, #tpu.memory_space<hbm>> -> memref<1000x768xf32, #tpu.memory_space<hbm>>
    tpu.enqueue_indirect_dma source(%dma_start3A_263 : memref<1000x768xf32, #tpu.memory_space<hbm>>) target(%arg6 : memref<32x768xf32, #tpu.memory_space<vmem>>) offsets(%dma_start3A_260 : memref<32xi32, #tpu.memory_space<vmem>>) semaphore(%arg9 : memref<!tpu.dma_semaphore, #tpu.memory_space<semaphore_mem>>)
    %dma_wait3A_264 = arith.constant 1 : i32
    %dma_wait3A_265 = arith.constant 0 : i32
    %dma_wait3A_266 = arith.constant 0 : i32
    %dma_wait3A_267 = tpu.memref_slice %arg8[%arg1, %dma_wait3A_264, %dma_wait3A_265, %dma_wait3A_266] : memref<16x2x32x768xf32, #tpu.memory_space<vmem_shared>> -> memref<1x1x32x768xf32, #tpu.memory_space<vmem_shared>>
    %dma_wait3A_268 = tpu.memref_squeeze %dma_wait3A_267 : memref<1x1x32x768xf32, #tpu.memory_space<vmem_shared>> -> memref<32x768xf32, #tpu.memory_space<vmem_shared>>
    %dma_wait3A_269 = arith.constant 0 : i32
    %dma_wait3A_270 = arith.constant 0 : i32
    %dma_wait3A_271 = tpu.memref_slice %arg8[%arg1, %dma_wait3A_264, %dma_wait3A_269, %dma_wait3A_270] : memref<16x2x32x768xf32, #tpu.memory_space<vmem_shared>> -> memref<1x1x32x768xf32, #tpu.memory_space<vmem_shared>>
    %dma_wait3A_272 = tpu.memref_squeeze %dma_wait3A_271 : memref<1x1x32x768xf32, #tpu.memory_space<vmem_shared>> -> memref<32x768xf32, #tpu.memory_space<vmem_shared>>
    tpu.wait_dma2 semaphore(%arg12 : memref<!tpu.dma_semaphore, #tpu.memory_space<semaphore_mem>>) src(%arg7 : memref<32x768xf32, #tpu.memory_space<vmem>>) dst(%dma_wait3A_272 : memref<32x768xf32, #tpu.memory_space<vmem_shared>>)
    %add3A_273 = arith.constant 160 : i32
    %add3A_274 = arith.addi %mul3A_2, %add3A_273 : i32
    %dma_start3A_275 = arith.constant 1 : i32
    %dma_start3A_276 = arith.constant 0 : i32
    %dma_start3A_277 = tpu.memref_slice %arg4[%add3A_274, %dma_start3A_276] : memref<16384x768xf32, #tpu.memory_space<hbm>> -> memref<32x768xf32, #tpu.memory_space<hbm>>
    %dma_start3A_278 = arith.constant 0 : i32
    %dma_start3A_279 = arith.constant 0 : i32
    %dma_start3A_280 = tpu.memref_slice %arg8[%arg1, %dma_start3A_275, %dma_start3A_278, %dma_start3A_279] : memref<16x2x32x768xf32, #tpu.memory_space<vmem_shared>> -> memref<1x1x32x768xf32, #tpu.memory_space<vmem_shared>>
    %dma_start3A_281 = tpu.memref_squeeze %dma_start3A_280 : memref<1x1x32x768xf32, #tpu.memory_space<vmem_shared>> -> memref<32x768xf32, #tpu.memory_space<vmem_shared>>
    tpu.enqueue_dma source(%dma_start3A_281 : memref<32x768xf32, #tpu.memory_space<vmem_shared>>) target(%dma_start3A_277 : memref<32x768xf32, #tpu.memory_space<hbm>>) target_semaphore(%arg14 : memref<!tpu.dma_semaphore, #tpu.memory_space<semaphore_mem>>)
    %dma_wait3A_282 = arith.constant 6 : i32
    %dma_wait3A_283 = arith.constant 0 : i32
    %dma_wait3A_284 = tpu.memref_slice %arg5[%dma_wait3A_282, %dma_wait3A_283] : memref<14x32xi32, #tpu.memory_space<vmem>> -> memref<1x32xi32, #tpu.memory_space<vmem>>
    %dma_wait3A_285 = tpu.memref_squeeze %dma_wait3A_284 : memref<1x32xi32, #tpu.memory_space<vmem>> -> memref<32xi32, #tpu.memory_space<vmem>>
    %dma_wait3A_286 = arith.constant 0 : i32
    %dma_wait3A_287 = arith.constant 0 : i32
    %dma_wait3A_288 = tpu.memref_slice %arg2[%dma_wait3A_286, %dma_wait3A_287] : memref<1000x768xf32, #tpu.memory_space<hbm>> -> memref<1000x768xf32, #tpu.memory_space<hbm>>
    tpu.wait_indirect_dma semaphore(%arg9 : memref<!tpu.dma_semaphore, #tpu.memory_space<semaphore_mem>>) src(%dma_wait3A_288 : memref<1000x768xf32, #tpu.memory_space<hbm>>) dst(%arg6 : memref<32x768xf32, #tpu.memory_space<vmem>>)
    %dma_wait3A_289 = arith.constant 0 : i32
    %dma_wait3A_290 = arith.constant 0 : i32
    %dma_wait3A_291 = tpu.memref_slice %arg4[%add3A_226, %dma_wait3A_290] : memref<16384x768xf32, #tpu.memory_space<hbm>> -> memref<32x768xf32, #tpu.memory_space<hbm>>
    %dma_wait3A_292 = arith.constant 0 : i32
    %dma_wait3A_293 = arith.constant 0 : i32
    %dma_wait3A_294 = tpu.memref_slice %arg8[%arg1, %dma_wait3A_289, %dma_wait3A_292, %dma_wait3A_293] : memref<16x2x32x768xf32, #tpu.memory_space<vmem_shared>> -> memref<1x1x32x768xf32, #tpu.memory_space<vmem_shared>>
    %dma_wait3A_295 = tpu.memref_squeeze %dma_wait3A_294 : memref<1x1x32x768xf32, #tpu.memory_space<vmem_shared>> -> memref<32x768xf32, #tpu.memory_space<vmem_shared>>
    tpu.wait_dma2 semaphore(%arg13 : memref<!tpu.dma_semaphore, #tpu.memory_space<semaphore_mem>>) src(%dma_wait3A_295 : memref<32x768xf32, #tpu.memory_space<vmem_shared>>) dst(%dma_wait3A_291 : memref<32x768xf32, #tpu.memory_space<hbm>>)
    %dma_start3A_296 = arith.constant 0 : i32
    %dma_start3A_297 = arith.constant 0 : i32
    %dma_start3A_298 = arith.constant 0 : i32
    %dma_start3A_299 = tpu.memref_slice %arg8[%arg1, %dma_start3A_296, %dma_start3A_297, %dma_start3A_298] : memref<16x2x32x768xf32, #tpu.memory_space<vmem_shared>> -> memref<1x1x32x768xf32, #tpu.memory_space<vmem_shared>>
    %dma_start3A_300 = tpu.memref_squeeze %dma_start3A_299 : memref<1x1x32x768xf32, #tpu.memory_space<vmem_shared>> -> memref<32x768xf32, #tpu.memory_space<vmem_shared>>
    %dma_start3A_301 = arith.constant 0 : i32
    %dma_start3A_302 = arith.constant 0 : i32
    %dma_start3A_303 = tpu.memref_slice %arg8[%arg1, %dma_start3A_296, %dma_start3A_301, %dma_start3A_302] : memref<16x2x32x768xf32, #tpu.memory_space<vmem_shared>> -> memref<1x1x32x768xf32, #tpu.memory_space<vmem_shared>>
    %dma_start3A_304 = tpu.memref_squeeze %dma_start3A_303 : memref<1x1x32x768xf32, #tpu.memory_space<vmem_shared>> -> memref<32x768xf32, #tpu.memory_space<vmem_shared>>
    tpu.enqueue_dma source(%arg6 : memref<32x768xf32, #tpu.memory_space<vmem>>) target(%dma_start3A_304 : memref<32x768xf32, #tpu.memory_space<vmem_shared>>) target_semaphore(%arg11 : memref<!tpu.dma_semaphore, #tpu.memory_space<semaphore_mem>>)
    %dma_start3A_305 = arith.constant 7 : i32
    %dma_start3A_306 = arith.constant 0 : i32
    %dma_start3A_307 = tpu.memref_slice %arg5[%dma_start3A_305, %dma_start3A_306] : memref<14x32xi32, #tpu.memory_space<vmem>> -> memref<1x32xi32, #tpu.memory_space<vmem>>
    %dma_start3A_308 = tpu.memref_squeeze %dma_start3A_307 : memref<1x32xi32, #tpu.memory_space<vmem>> -> memref<32xi32, #tpu.memory_space<vmem>>
    %dma_start3A_309 = arith.constant 0 : i32
    %dma_start3A_310 = arith.constant 0 : i32
    %dma_start3A_311 = tpu.memref_slice %arg2[%dma_start3A_309, %dma_start3A_310] : memref<1000x768xf32, #tpu.memory_space<hbm>> -> memref<1000x768xf32, #tpu.memory_space<hbm>>
    tpu.enqueue_indirect_dma source(%dma_start3A_311 : memref<1000x768xf32, #tpu.memory_space<hbm>>) target(%arg7 : memref<32x768xf32, #tpu.memory_space<vmem>>) offsets(%dma_start3A_308 : memref<32xi32, #tpu.memory_space<vmem>>) semaphore(%arg10 : memref<!tpu.dma_semaphore, #tpu.memory_space<semaphore_mem>>)
    %dma_wait3A_312 = arith.constant 0 : i32
    %dma_wait3A_313 = arith.constant 0 : i32
    %dma_wait3A_314 = arith.constant 0 : i32
    %dma_wait3A_315 = tpu.memref_slice %arg8[%arg1, %dma_wait3A_312, %dma_wait3A_313, %dma_wait3A_314] : memref<16x2x32x768xf32, #tpu.memory_space<vmem_shared>> -> memref<1x1x32x768xf32, #tpu.memory_space<vmem_shared>>
    %dma_wait3A_316 = tpu.memref_squeeze %dma_wait3A_315 : memref<1x1x32x768xf32, #tpu.memory_space<vmem_shared>> -> memref<32x768xf32, #tpu.memory_space<vmem_shared>>
    %dma_wait3A_317 = arith.constant 0 : i32
    %dma_wait3A_318 = arith.constant 0 : i32
    %dma_wait3A_319 = tpu.memref_slice %arg8[%arg1, %dma_wait3A_312, %dma_wait3A_317, %dma_wait3A_318] : memref<16x2x32x768xf32, #tpu.memory_space<vmem_shared>> -> memref<1x1x32x768xf32, #tpu.memory_space<vmem_shared>>
    %dma_wait3A_320 = tpu.memref_squeeze %dma_wait3A_319 : memref<1x1x32x768xf32, #tpu.memory_space<vmem_shared>> -> memref<32x768xf32, #tpu.memory_space<vmem_shared>>
    tpu.wait_dma2 semaphore(%arg11 : memref<!tpu.dma_semaphore, #tpu.memory_space<semaphore_mem>>) src(%arg6 : memref<32x768xf32, #tpu.memory_space<vmem>>) dst(%dma_wait3A_320 : memref<32x768xf32, #tpu.memory_space<vmem_shared>>)
    %add3A_321 = arith.constant 192 : i32
    %add3A_322 = arith.addi %mul3A_2, %add3A_321 : i32
    %dma_start3A_323 = arith.constant 0 : i32
    %dma_start3A_324 = arith.constant 0 : i32
    %dma_start3A_325 = tpu.memref_slice %arg4[%add3A_322, %dma_start3A_324] : memref<16384x768xf32, #tpu.memory_space<hbm>> -> memref<32x768xf32, #tpu.memory_space<hbm>>
    %dma_start3A_326 = arith.constant 0 : i32
    %dma_start3A_327 = arith.constant 0 : i32
    %dma_start3A_328 = tpu.memref_slice %arg8[%arg1, %dma_start3A_323, %dma_start3A_326, %dma_start3A_327] : memref<16x2x32x768xf32, #tpu.memory_space<vmem_shared>> -> memref<1x1x32x768xf32, #tpu.memory_space<vmem_shared>>
    %dma_start3A_329 = tpu.memref_squeeze %dma_start3A_328 : memref<1x1x32x768xf32, #tpu.memory_space<vmem_shared>> -> memref<32x768xf32, #tpu.memory_space<vmem_shared>>
    tpu.enqueue_dma source(%dma_start3A_329 : memref<32x768xf32, #tpu.memory_space<vmem_shared>>) target(%dma_start3A_325 : memref<32x768xf32, #tpu.memory_space<hbm>>) target_semaphore(%arg13 : memref<!tpu.dma_semaphore, #tpu.memory_space<semaphore_mem>>)
    %dma_wait3A_330 = arith.constant 7 : i32
    %dma_wait3A_331 = arith.constant 0 : i32
    %dma_wait3A_332 = tpu.memref_slice %arg5[%dma_wait3A_330, %dma_wait3A_331] : memref<14x32xi32, #tpu.memory_space<vmem>> -> memref<1x32xi32, #tpu.memory_space<vmem>>
    %dma_wait3A_333 = tpu.memref_squeeze %dma_wait3A_332 : memref<1x32xi32, #tpu.memory_space<vmem>> -> memref<32xi32, #tpu.memory_space<vmem>>
    %dma_wait3A_334 = arith.constant 0 : i32
    %dma_wait3A_335 = arith.constant 0 : i32
    %dma_wait3A_336 = tpu.memref_slice %arg2[%dma_wait3A_334, %dma_wait3A_335] : memref<1000x768xf32, #tpu.memory_space<hbm>> -> memref<1000x768xf32, #tpu.memory_space<hbm>>
    tpu.wait_indirect_dma semaphore(%arg10 : memref<!tpu.dma_semaphore, #tpu.memory_space<semaphore_mem>>) src(%dma_wait3A_336 : memref<1000x768xf32, #tpu.memory_space<hbm>>) dst(%arg7 : memref<32x768xf32, #tpu.memory_space<vmem>>)
    %dma_wait3A_337 = arith.constant 1 : i32
    %dma_wait3A_338 = arith.constant 0 : i32
    %dma_wait3A_339 = tpu.memref_slice %arg4[%add3A_274, %dma_wait3A_338] : memref<16384x768xf32, #tpu.memory_space<hbm>> -> memref<32x768xf32, #tpu.memory_space<hbm>>
    %dma_wait3A_340 = arith.constant 0 : i32
    %dma_wait3A_341 = arith.constant 0 : i32
    %dma_wait3A_342 = tpu.memref_slice %arg8[%arg1, %dma_wait3A_337, %dma_wait3A_340, %dma_wait3A_341] : memref<16x2x32x768xf32, #tpu.memory_space<vmem_shared>> -> memref<1x1x32x768xf32, #tpu.memory_space<vmem_shared>>
    %dma_wait3A_343 = tpu.memref_squeeze %dma_wait3A_342 : memref<1x1x32x768xf32, #tpu.memory_space<vmem_shared>> -> memref<32x768xf32, #tpu.memory_space<vmem_shared>>
    tpu.wait_dma2 semaphore(%arg14 : memref<!tpu.dma_semaphore, #tpu.memory_space<semaphore_mem>>) src(%dma_wait3A_343 : memref<32x768xf32, #tpu.memory_space<vmem_shared>>) dst(%dma_wait3A_339 : memref<32x768xf32, #tpu.memory_space<hbm>>)
    %dma_start3A_344 = arith.constant 1 : i32
    %dma_start3A_345 = arith.constant 0 : i32
    %dma_start3A_346 = arith.constant 0 : i32
    %dma_start3A_347 = tpu.memref_slice %arg8[%arg1, %dma_start3A_344, %dma_start3A_345, %dma_start3A_346] : memref<16x2x32x768xf32, #tpu.memory_space<vmem_shared>> -> memref<1x1x32x768xf32, #tpu.memory_space<vmem_shared>>
    %dma_start3A_348 = tpu.memref_squeeze %dma_start3A_347 : memref<1x1x32x768xf32, #tpu.memory_space<vmem_shared>> -> memref<32x768xf32, #tpu.memory_space<vmem_shared>>
    %dma_start3A_349 = arith.constant 0 : i32
    %dma_start3A_350 = arith.constant 0 : i32
    %dma_start3A_351 = tpu.memref_slice %arg8[%arg1, %dma_start3A_344, %dma_start3A_349, %dma_start3A_350] : memref<16x2x32x768xf32, #tpu.memory_space<vmem_shared>> -> memref<1x1x32x768xf32, #tpu.memory_space<vmem_shared>>
    %dma_start3A_352 = tpu.memref_squeeze %dma_start3A_351 : memref<1x1x32x768xf32, #tpu.memory_space<vmem_shared>> -> memref<32x768xf32, #tpu.memory_space<vmem_shared>>
    tpu.enqueue_dma source(%arg7 : memref<32x768xf32, #tpu.memory_space<vmem>>) target(%dma_start3A_352 : memref<32x768xf32, #tpu.memory_space<vmem_shared>>) target_semaphore(%arg12 : memref<!tpu.dma_semaphore, #tpu.memory_space<semaphore_mem>>)
    %dma_start3A_353 = arith.constant 8 : i32
    %dma_start3A_354 = arith.constant 0 : i32
    %dma_start3A_355 = tpu.memref_slice %arg5[%dma_start3A_353, %dma_start3A_354] : memref<14x32xi32, #tpu.memory_space<vmem>> -> memref<1x32xi32, #tpu.memory_space<vmem>>
    %dma_start3A_356 = tpu.memref_squeeze %dma_start3A_355 : memref<1x32xi32, #tpu.memory_space<vmem>> -> memref<32xi32, #tpu.memory_space<vmem>>
    %dma_start3A_357 = arith.constant 0 : i32
    %dma_start3A_358 = arith.constant 0 : i32
    %dma_start3A_359 = tpu.memref_slice %arg2[%dma_start3A_357, %dma_start3A_358] : memref<1000x768xf32, #tpu.memory_space<hbm>> -> memref<1000x768xf32, #tpu.memory_space<hbm>>
    tpu.enqueue_indirect_dma source(%dma_start3A_359 : memref<1000x768xf32, #tpu.memory_space<hbm>>) target(%arg6 : memref<32x768xf32, #tpu.memory_space<vmem>>) offsets(%dma_start3A_356 : memref<32xi32, #tpu.memory_space<vmem>>) semaphore(%arg9 : memref<!tpu.dma_semaphore, #tpu.memory_space<semaphore_mem>>)
    %dma_wait3A_360 = arith.constant 1 : i32
    %dma_wait3A_361 = arith.constant 0 : i32
    %dma_wait3A_362 = arith.constant 0 : i32
    %dma_wait3A_363 = tpu.memref_slice %arg8[%arg1, %dma_wait3A_360, %dma_wait3A_361, %dma_wait3A_362] : memref<16x2x32x768xf32, #tpu.memory_space<vmem_shared>> -> memref<1x1x32x768xf32, #tpu.memory_space<vmem_shared>>
    %dma_wait3A_364 = tpu.memref_squeeze %dma_wait3A_363 : memref<1x1x32x768xf32, #tpu.memory_space<vmem_shared>> -> memref<32x768xf32, #tpu.memory_space<vmem_shared>>
    %dma_wait3A_365 = arith.constant 0 : i32
    %dma_wait3A_366 = arith.constant 0 : i32
    %dma_wait3A_367 = tpu.memref_slice %arg8[%arg1, %dma_wait3A_360, %dma_wait3A_365, %dma_wait3A_366] : memref<16x2x32x768xf32, #tpu.memory_space<vmem_shared>> -> memref<1x1x32x768xf32, #tpu.memory_space<vmem_shared>>
    %dma_wait3A_368 = tpu.memref_squeeze %dma_wait3A_367 : memref<1x1x32x768xf32, #tpu.memory_space<vmem_shared>> -> memref<32x768xf32, #tpu.memory_space<vmem_shared>>
    tpu.wait_dma2 semaphore(%arg12 : memref<!tpu.dma_semaphore, #tpu.memory_space<semaphore_mem>>) src(%arg7 : memref<32x768xf32, #tpu.memory_space<vmem>>) dst(%dma_wait3A_368 : memref<32x768xf32, #tpu.memory_space<vmem_shared>>)
    %add3A_369 = arith.constant 224 : i32
    %add3A_370 = arith.addi %mul3A_2, %add3A_369 : i32
    %dma_start3A_371 = arith.constant 1 : i32
    %dma_start3A_372 = arith.constant 0 : i32
    %dma_start3A_373 = tpu.memref_slice %arg4[%add3A_370, %dma_start3A_372] : memref<16384x768xf32, #tpu.memory_space<hbm>> -> memref<32x768xf32, #tpu.memory_space<hbm>>
    %dma_start3A_374 = arith.constant 0 : i32
    %dma_start3A_375 = arith.constant 0 : i32
    %dma_start3A_376 = tpu.memref_slice %arg8[%arg1, %dma_start3A_371, %dma_start3A_374, %dma_start3A_375] : memref<16x2x32x768xf32, #tpu.memory_space<vmem_shared>> -> memref<1x1x32x768xf32, #tpu.memory_space<vmem_shared>>
    %dma_start3A_377 = tpu.memref_squeeze %dma_start3A_376 : memref<1x1x32x768xf32, #tpu.memory_space<vmem_shared>> -> memref<32x768xf32, #tpu.memory_space<vmem_shared>>
    tpu.enqueue_dma source(%dma_start3A_377 : memref<32x768xf32, #tpu.memory_space<vmem_shared>>) target(%dma_start3A_373 : memref<32x768xf32, #tpu.memory_space<hbm>>) target_semaphore(%arg14 : memref<!tpu.dma_semaphore, #tpu.memory_space<semaphore_mem>>)
    %dma_wait3A_378 = arith.constant 8 : i32
    %dma_wait3A_379 = arith.constant 0 : i32
    %dma_wait3A_380 = tpu.memref_slice %arg5[%dma_wait3A_378, %dma_wait3A_379] : memref<14x32xi32, #tpu.memory_space<vmem>> -> memref<1x32xi32, #tpu.memory_space<vmem>>
    %dma_wait3A_381 = tpu.memref_squeeze %dma_wait3A_380 : memref<1x32xi32, #tpu.memory_space<vmem>> -> memref<32xi32, #tpu.memory_space<vmem>>
    %dma_wait3A_382 = arith.constant 0 : i32
    %dma_wait3A_383 = arith.constant 0 : i32
    %dma_wait3A_384 = tpu.memref_slice %arg2[%dma_wait3A_382, %dma_wait3A_383] : memref<1000x768xf32, #tpu.memory_space<hbm>> -> memref<1000x768xf32, #tpu.memory_space<hbm>>
    tpu.wait_indirect_dma semaphore(%arg9 : memref<!tpu.dma_semaphore, #tpu.memory_space<semaphore_mem>>) src(%dma_wait3A_384 : memref<1000x768xf32, #tpu.memory_space<hbm>>) dst(%arg6 : memref<32x768xf32, #tpu.memory_space<vmem>>)
    %dma_wait3A_385 = arith.constant 0 : i32
    %dma_wait3A_386 = arith.constant 0 : i32
    %dma_wait3A_387 = tpu.memref_slice %arg4[%add3A_322, %dma_wait3A_386] : memref<16384x768xf32, #tpu.memory_space<hbm>> -> memref<32x768xf32, #tpu.memory_space<hbm>>
    %dma_wait3A_388 = arith.constant 0 : i32
    %dma_wait3A_389 = arith.constant 0 : i32
    %dma_wait3A_390 = tpu.memref_slice %arg8[%arg1, %dma_wait3A_385, %dma_wait3A_388, %dma_wait3A_389] : memref<16x2x32x768xf32, #tpu.memory_space<vmem_shared>> -> memref<1x1x32x768xf32, #tpu.memory_space<vmem_shared>>
    %dma_wait3A_391 = tpu.memref_squeeze %dma_wait3A_390 : memref<1x1x32x768xf32, #tpu.memory_space<vmem_shared>> -> memref<32x768xf32, #tpu.memory_space<vmem_shared>>
    tpu.wait_dma2 semaphore(%arg13 : memref<!tpu.dma_semaphore, #tpu.memory_space<semaphore_mem>>) src(%dma_wait3A_391 : memref<32x768xf32, #tpu.memory_space<vmem_shared>>) dst(%dma_wait3A_387 : memref<32x768xf32, #tpu.memory_space<hbm>>)
    %dma_start3A_392 = arith.constant 0 : i32
    %dma_start3A_393 = arith.constant 0 : i32
    %dma_start3A_394 = arith.constant 0 : i32
    %dma_start3A_395 = tpu.memref_slice %arg8[%arg1, %dma_start3A_392, %dma_start3A_393, %dma_start3A_394] : memref<16x2x32x768xf32, #tpu.memory_space<vmem_shared>> -> memref<1x1x32x768xf32, #tpu.memory_space<vmem_shared>>
    %dma_start3A_396 = tpu.memref_squeeze %dma_start3A_395 : memref<1x1x32x768xf32, #tpu.memory_space<vmem_shared>> -> memref<32x768xf32, #tpu.memory_space<vmem_shared>>
    %dma_start3A_397 = arith.constant 0 : i32
    %dma_start3A_398 = arith.constant 0 : i32
    %dma_start3A_399 = tpu.memref_slice %arg8[%arg1, %dma_start3A_392, %dma_start3A_397, %dma_start3A_398] : memref<16x2x32x768xf32, #tpu.memory_space<vmem_shared>> -> memref<1x1x32x768xf32, #tpu.memory_space<vmem_shared>>
    %dma_start3A_400 = tpu.memref_squeeze %dma_start3A_399 : memref<1x1x32x768xf32, #tpu.memory_space<vmem_shared>> -> memref<32x768xf32, #tpu.memory_space<vmem_shared>>
    tpu.enqueue_dma source(%arg6 : memref<32x768xf32, #tpu.memory_space<vmem>>) target(%dma_start3A_400 : memref<32x768xf32, #tpu.memory_space<vmem_shared>>) target_semaphore(%arg11 : memref<!tpu.dma_semaphore, #tpu.memory_space<semaphore_mem>>)
    %dma_start3A_401 = arith.constant 9 : i32
    %dma_start3A_402 = arith.constant 0 : i32
    %dma_start3A_403 = tpu.memref_slice %arg5[%dma_start3A_401, %dma_start3A_402] : memref<14x32xi32, #tpu.memory_space<vmem>> -> memref<1x32xi32, #tpu.memory_space<vmem>>
    %dma_start3A_404 = tpu.memref_squeeze %dma_start3A_403 : memref<1x32xi32, #tpu.memory_space<vmem>> -> memref<32xi32, #tpu.memory_space<vmem>>
    %dma_start3A_405 = arith.constant 0 : i32
    %dma_start3A_406 = arith.constant 0 : i32
    %dma_start3A_407 = tpu.memref_slice %arg2[%dma_start3A_405, %dma_start3A_406] : memref<1000x768xf32, #tpu.memory_space<hbm>> -> memref<1000x768xf32, #tpu.memory_space<hbm>>
    tpu.enqueue_indirect_dma source(%dma_start3A_407 : memref<1000x768xf32, #tpu.memory_space<hbm>>) target(%arg7 : memref<32x768xf32, #tpu.memory_space<vmem>>) offsets(%dma_start3A_404 : memref<32xi32, #tpu.memory_space<vmem>>) semaphore(%arg10 : memref<!tpu.dma_semaphore, #tpu.memory_space<semaphore_mem>>)
    %dma_wait3A_408 = arith.constant 0 : i32
    %dma_wait3A_409 = arith.constant 0 : i32
    %dma_wait3A_410 = arith.constant 0 : i32
    %dma_wait3A_411 = tpu.memref_slice %arg8[%arg1, %dma_wait3A_408, %dma_wait3A_409, %dma_wait3A_410] : memref<16x2x32x768xf32, #tpu.memory_space<vmem_shared>> -> memref<1x1x32x768xf32, #tpu.memory_space<vmem_shared>>
    %dma_wait3A_412 = tpu.memref_squeeze %dma_wait3A_411 : memref<1x1x32x768xf32, #tpu.memory_space<vmem_shared>> -> memref<32x768xf32, #tpu.memory_space<vmem_shared>>
    %dma_wait3A_413 = arith.constant 0 : i32
    %dma_wait3A_414 = arith.constant 0 : i32
    %dma_wait3A_415 = tpu.memref_slice %arg8[%arg1, %dma_wait3A_408, %dma_wait3A_413, %dma_wait3A_414] : memref<16x2x32x768xf32, #tpu.memory_space<vmem_shared>> -> memref<1x1x32x768xf32, #tpu.memory_space<vmem_shared>>
    %dma_wait3A_416 = tpu.memref_squeeze %dma_wait3A_415 : memref<1x1x32x768xf32, #tpu.memory_space<vmem_shared>> -> memref<32x768xf32, #tpu.memory_space<vmem_shared>>
    tpu.wait_dma2 semaphore(%arg11 : memref<!tpu.dma_semaphore, #tpu.memory_space<semaphore_mem>>) src(%arg6 : memref<32x768xf32, #tpu.memory_space<vmem>>) dst(%dma_wait3A_416 : memref<32x768xf32, #tpu.memory_space<vmem_shared>>)
    %add3A_417 = arith.constant 256 : i32
    %add3A_418 = arith.addi %mul3A_2, %add3A_417 : i32
    %dma_start3A_419 = arith.constant 0 : i32
    %dma_start3A_420 = arith.constant 0 : i32
    %dma_start3A_421 = tpu.memref_slice %arg4[%add3A_418, %dma_start3A_420] : memref<16384x768xf32, #tpu.memory_space<hbm>> -> memref<32x768xf32, #tpu.memory_space<hbm>>
    %dma_start3A_422 = arith.constant 0 : i32
    %dma_start3A_423 = arith.constant 0 : i32
    %dma_start3A_424 = tpu.memref_slice %arg8[%arg1, %dma_start3A_419, %dma_start3A_422, %dma_start3A_423] : memref<16x2x32x768xf32, #tpu.memory_space<vmem_shared>> -> memref<1x1x32x768xf32, #tpu.memory_space<vmem_shared>>
    %dma_start3A_425 = tpu.memref_squeeze %dma_start3A_424 : memref<1x1x32x768xf32, #tpu.memory_space<vmem_shared>> -> memref<32x768xf32, #tpu.memory_space<vmem_shared>>
    tpu.enqueue_dma source(%dma_start3A_425 : memref<32x768xf32, #tpu.memory_space<vmem_shared>>) target(%dma_start3A_421 : memref<32x768xf32, #tpu.memory_space<hbm>>) target_semaphore(%arg13 : memref<!tpu.dma_semaphore, #tpu.memory_space<semaphore_mem>>)
    %dma_wait3A_426 = arith.constant 9 : i32
    %dma_wait3A_427 = arith.constant 0 : i32
    %dma_wait3A_428 = tpu.memref_slice %arg5[%dma_wait3A_426, %dma_wait3A_427] : memref<14x32xi32, #tpu.memory_space<vmem>> -> memref<1x32xi32, #tpu.memory_space<vmem>>
    %dma_wait3A_429 = tpu.memref_squeeze %dma_wait3A_428 : memref<1x32xi32, #tpu.memory_space<vmem>> -> memref<32xi32, #tpu.memory_space<vmem>>
    %dma_wait3A_430 = arith.constant 0 : i32
    %dma_wait3A_431 = arith.constant 0 : i32
    %dma_wait3A_432 = tpu.memref_slice %arg2[%dma_wait3A_430, %dma_wait3A_431] : memref<1000x768xf32, #tpu.memory_space<hbm>> -> memref<1000x768xf32, #tpu.memory_space<hbm>>
    tpu.wait_indirect_dma semaphore(%arg10 : memref<!tpu.dma_semaphore, #tpu.memory_space<semaphore_mem>>) src(%dma_wait3A_432 : memref<1000x768xf32, #tpu.memory_space<hbm>>) dst(%arg7 : memref<32x768xf32, #tpu.memory_space<vmem>>)
    %dma_wait3A_433 = arith.constant 1 : i32
    %dma_wait3A_434 = arith.constant 0 : i32
    %dma_wait3A_435 = tpu.memref_slice %arg4[%add3A_370, %dma_wait3A_434] : memref<16384x768xf32, #tpu.memory_space<hbm>> -> memref<32x768xf32, #tpu.memory_space<hbm>>
    %dma_wait3A_436 = arith.constant 0 : i32
    %dma_wait3A_437 = arith.constant 0 : i32
    %dma_wait3A_438 = tpu.memref_slice %arg8[%arg1, %dma_wait3A_433, %dma_wait3A_436, %dma_wait3A_437] : memref<16x2x32x768xf32, #tpu.memory_space<vmem_shared>> -> memref<1x1x32x768xf32, #tpu.memory_space<vmem_shared>>
    %dma_wait3A_439 = tpu.memref_squeeze %dma_wait3A_438 : memref<1x1x32x768xf32, #tpu.memory_space<vmem_shared>> -> memref<32x768xf32, #tpu.memory_space<vmem_shared>>
    tpu.wait_dma2 semaphore(%arg14 : memref<!tpu.dma_semaphore, #tpu.memory_space<semaphore_mem>>) src(%dma_wait3A_439 : memref<32x768xf32, #tpu.memory_space<vmem_shared>>) dst(%dma_wait3A_435 : memref<32x768xf32, #tpu.memory_space<hbm>>)
    %dma_start3A_440 = arith.constant 1 : i32
    %dma_start3A_441 = arith.constant 0 : i32
    %dma_start3A_442 = arith.constant 0 : i32
    %dma_start3A_443 = tpu.memref_slice %arg8[%arg1, %dma_start3A_440, %dma_start3A_441, %dma_start3A_442] : memref<16x2x32x768xf32, #tpu.memory_space<vmem_shared>> -> memref<1x1x32x768xf32, #tpu.memory_space<vmem_shared>>
    %dma_start3A_444 = tpu.memref_squeeze %dma_start3A_443 : memref<1x1x32x768xf32, #tpu.memory_space<vmem_shared>> -> memref<32x768xf32, #tpu.memory_space<vmem_shared>>
    %dma_start3A_445 = arith.constant 0 : i32
    %dma_start3A_446 = arith.constant 0 : i32
    %dma_start3A_447 = tpu.memref_slice %arg8[%arg1, %dma_start3A_440, %dma_start3A_445, %dma_start3A_446] : memref<16x2x32x768xf32, #tpu.memory_space<vmem_shared>> -> memref<1x1x32x768xf32, #tpu.memory_space<vmem_shared>>
    %dma_start3A_448 = tpu.memref_squeeze %dma_start3A_447 : memref<1x1x32x768xf32, #tpu.memory_space<vmem_shared>> -> memref<32x768xf32, #tpu.memory_space<vmem_shared>>
    tpu.enqueue_dma source(%arg7 : memref<32x768xf32, #tpu.memory_space<vmem>>) target(%dma_start3A_448 : memref<32x768xf32, #tpu.memory_space<vmem_shared>>) target_semaphore(%arg12 : memref<!tpu.dma_semaphore, #tpu.memory_space<semaphore_mem>>)
    %dma_start3A_449 = arith.constant 10 : i32
    %dma_start3A_450 = arith.constant 0 : i32
    %dma_start3A_451 = tpu.memref_slice %arg5[%dma_start3A_449, %dma_start3A_450] : memref<14x32xi32, #tpu.memory_space<vmem>> -> memref<1x32xi32, #tpu.memory_space<vmem>>
    %dma_start3A_452 = tpu.memref_squeeze %dma_start3A_451 : memref<1x32xi32, #tpu.memory_space<vmem>> -> memref<32xi32, #tpu.memory_space<vmem>>
    %dma_start3A_453 = arith.constant 0 : i32
    %dma_start3A_454 = arith.constant 0 : i32
    %dma_start3A_455 = tpu.memref_slice %arg2[%dma_start3A_453, %dma_start3A_454] : memref<1000x768xf32, #tpu.memory_space<hbm>> -> memref<1000x768xf32, #tpu.memory_space<hbm>>
    tpu.enqueue_indirect_dma source(%dma_start3A_455 : memref<1000x768xf32, #tpu.memory_space<hbm>>) target(%arg6 : memref<32x768xf32, #tpu.memory_space<vmem>>) offsets(%dma_start3A_452 : memref<32xi32, #tpu.memory_space<vmem>>) semaphore(%arg9 : memref<!tpu.dma_semaphore, #tpu.memory_space<semaphore_mem>>)
    %dma_wait3A_456 = arith.constant 1 : i32
    %dma_wait3A_457 = arith.constant 0 : i32
    %dma_wait3A_458 = arith.constant 0 : i32
    %dma_wait3A_459 = tpu.memref_slice %arg8[%arg1, %dma_wait3A_456, %dma_wait3A_457, %dma_wait3A_458] : memref<16x2x32x768xf32, #tpu.memory_space<vmem_shared>> -> memref<1x1x32x768xf32, #tpu.memory_space<vmem_shared>>
    %dma_wait3A_460 = tpu.memref_squeeze %dma_wait3A_459 : memref<1x1x32x768xf32, #tpu.memory_space<vmem_shared>> -> memref<32x768xf32, #tpu.memory_space<vmem_shared>>
    %dma_wait3A_461 = arith.constant 0 : i32
    %dma_wait3A_462 = arith.constant 0 : i32
    %dma_wait3A_463 = tpu.memref_slice %arg8[%arg1, %dma_wait3A_456, %dma_wait3A_461, %dma_wait3A_462] : memref<16x2x32x768xf32, #tpu.memory_space<vmem_shared>> -> memref<1x1x32x768xf32, #tpu.memory_space<vmem_shared>>
    %dma_wait3A_464 = tpu.memref_squeeze %dma_wait3A_463 : memref<1x1x32x768xf32, #tpu.memory_space<vmem_shared>> -> memref<32x768xf32, #tpu.memory_space<vmem_shared>>
    tpu.wait_dma2 semaphore(%arg12 : memref<!tpu.dma_semaphore, #tpu.memory_space<semaphore_mem>>) src(%arg7 : memref<32x768xf32, #tpu.memory_space<vmem>>) dst(%dma_wait3A_464 : memref<32x768xf32, #tpu.memory_space<vmem_shared>>)
    %add3A_465 = arith.constant 288 : i32
    %add3A_466 = arith.addi %mul3A_2, %add3A_465 : i32
    %dma_start3A_467 = arith.constant 1 : i32
    %dma_start3A_468 = arith.constant 0 : i32
    %dma_start3A_469 = tpu.memref_slice %arg4[%add3A_466, %dma_start3A_468] : memref<16384x768xf32, #tpu.memory_space<hbm>> -> memref<32x768xf32, #tpu.memory_space<hbm>>
    %dma_start3A_470 = arith.constant 0 : i32
    %dma_start3A_471 = arith.constant 0 : i32
    %dma_start3A_472 = tpu.memref_slice %arg8[%arg1, %dma_start3A_467, %dma_start3A_470, %dma_start3A_471] : memref<16x2x32x768xf32, #tpu.memory_space<vmem_shared>> -> memref<1x1x32x768xf32, #tpu.memory_space<vmem_shared>>
    %dma_start3A_473 = tpu.memref_squeeze %dma_start3A_472 : memref<1x1x32x768xf32, #tpu.memory_space<vmem_shared>> -> memref<32x768xf32, #tpu.memory_space<vmem_shared>>
    tpu.enqueue_dma source(%dma_start3A_473 : memref<32x768xf32, #tpu.memory_space<vmem_shared>>) target(%dma_start3A_469 : memref<32x768xf32, #tpu.memory_space<hbm>>) target_semaphore(%arg14 : memref<!tpu.dma_semaphore, #tpu.memory_space<semaphore_mem>>)
    %dma_wait3A_474 = arith.constant 10 : i32
    %dma_wait3A_475 = arith.constant 0 : i32
    %dma_wait3A_476 = tpu.memref_slice %arg5[%dma_wait3A_474, %dma_wait3A_475] : memref<14x32xi32, #tpu.memory_space<vmem>> -> memref<1x32xi32, #tpu.memory_space<vmem>>
    %dma_wait3A_477 = tpu.memref_squeeze %dma_wait3A_476 : memref<1x32xi32, #tpu.memory_space<vmem>> -> memref<32xi32, #tpu.memory_space<vmem>>
    %dma_wait3A_478 = arith.constant 0 : i32
    %dma_wait3A_479 = arith.constant 0 : i32
    %dma_wait3A_480 = tpu.memref_slice %arg2[%dma_wait3A_478, %dma_wait3A_479] : memref<1000x768xf32, #tpu.memory_space<hbm>> -> memref<1000x768xf32, #tpu.memory_space<hbm>>
    tpu.wait_indirect_dma semaphore(%arg9 : memref<!tpu.dma_semaphore, #tpu.memory_space<semaphore_mem>>) src(%dma_wait3A_480 : memref<1000x768xf32, #tpu.memory_space<hbm>>) dst(%arg6 : memref<32x768xf32, #tpu.memory_space<vmem>>)
    %dma_wait3A_481 = arith.constant 0 : i32
    %dma_wait3A_482 = arith.constant 0 : i32
    %dma_wait3A_483 = tpu.memref_slice %arg4[%add3A_418, %dma_wait3A_482] : memref<16384x768xf32, #tpu.memory_space<hbm>> -> memref<32x768xf32, #tpu.memory_space<hbm>>
    %dma_wait3A_484 = arith.constant 0 : i32
    %dma_wait3A_485 = arith.constant 0 : i32
    %dma_wait3A_486 = tpu.memref_slice %arg8[%arg1, %dma_wait3A_481, %dma_wait3A_484, %dma_wait3A_485] : memref<16x2x32x768xf32, #tpu.memory_space<vmem_shared>> -> memref<1x1x32x768xf32, #tpu.memory_space<vmem_shared>>
    %dma_wait3A_487 = tpu.memref_squeeze %dma_wait3A_486 : memref<1x1x32x768xf32, #tpu.memory_space<vmem_shared>> -> memref<32x768xf32, #tpu.memory_space<vmem_shared>>
    tpu.wait_dma2 semaphore(%arg13 : memref<!tpu.dma_semaphore, #tpu.memory_space<semaphore_mem>>) src(%dma_wait3A_487 : memref<32x768xf32, #tpu.memory_space<vmem_shared>>) dst(%dma_wait3A_483 : memref<32x768xf32, #tpu.memory_space<hbm>>)
    %dma_start3A_488 = arith.constant 0 : i32
    %dma_start3A_489 = arith.constant 0 : i32
    %dma_start3A_490 = arith.constant 0 : i32
    %dma_start3A_491 = tpu.memref_slice %arg8[%arg1, %dma_start3A_488, %dma_start3A_489, %dma_start3A_490] : memref<16x2x32x768xf32, #tpu.memory_space<vmem_shared>> -> memref<1x1x32x768xf32, #tpu.memory_space<vmem_shared>>
    %dma_start3A_492 = tpu.memref_squeeze %dma_start3A_491 : memref<1x1x32x768xf32, #tpu.memory_space<vmem_shared>> -> memref<32x768xf32, #tpu.memory_space<vmem_shared>>
    %dma_start3A_493 = arith.constant 0 : i32
    %dma_start3A_494 = arith.constant 0 : i32
    %dma_start3A_495 = tpu.memref_slice %arg8[%arg1, %dma_start3A_488, %dma_start3A_493, %dma_start3A_494] : memref<16x2x32x768xf32, #tpu.memory_space<vmem_shared>> -> memref<1x1x32x768xf32, #tpu.memory_space<vmem_shared>>
    %dma_start3A_496 = tpu.memref_squeeze %dma_start3A_495 : memref<1x1x32x768xf32, #tpu.memory_space<vmem_shared>> -> memref<32x768xf32, #tpu.memory_space<vmem_shared>>
    tpu.enqueue_dma source(%arg6 : memref<32x768xf32, #tpu.memory_space<vmem>>) target(%dma_start3A_496 : memref<32x768xf32, #tpu.memory_space<vmem_shared>>) target_semaphore(%arg11 : memref<!tpu.dma_semaphore, #tpu.memory_space<semaphore_mem>>)
    %dma_start3A_497 = arith.constant 11 : i32
    %dma_start3A_498 = arith.constant 0 : i32
    %dma_start3A_499 = tpu.memref_slice %arg5[%dma_start3A_497, %dma_start3A_498] : memref<14x32xi32, #tpu.memory_space<vmem>> -> memref<1x32xi32, #tpu.memory_space<vmem>>
    %dma_start3A_500 = tpu.memref_squeeze %dma_start3A_499 : memref<1x32xi32, #tpu.memory_space<vmem>> -> memref<32xi32, #tpu.memory_space<vmem>>
    %dma_start3A_501 = arith.constant 0 : i32
    %dma_start3A_502 = arith.constant 0 : i32
    %dma_start3A_503 = tpu.memref_slice %arg2[%dma_start3A_501, %dma_start3A_502] : memref<1000x768xf32, #tpu.memory_space<hbm>> -> memref<1000x768xf32, #tpu.memory_space<hbm>>
    tpu.enqueue_indirect_dma source(%dma_start3A_503 : memref<1000x768xf32, #tpu.memory_space<hbm>>) target(%arg7 : memref<32x768xf32, #tpu.memory_space<vmem>>) offsets(%dma_start3A_500 : memref<32xi32, #tpu.memory_space<vmem>>) semaphore(%arg10 : memref<!tpu.dma_semaphore, #tpu.memory_space<semaphore_mem>>)
    %dma_wait3A_504 = arith.constant 0 : i32
    %dma_wait3A_505 = arith.constant 0 : i32
    %dma_wait3A_506 = arith.constant 0 : i32
    %dma_wait3A_507 = tpu.memref_slice %arg8[%arg1, %dma_wait3A_504, %dma_wait3A_505, %dma_wait3A_506] : memref<16x2x32x768xf32, #tpu.memory_space<vmem_shared>> -> memref<1x1x32x768xf32, #tpu.memory_space<vmem_shared>>
    %dma_wait3A_508 = tpu.memref_squeeze %dma_wait3A_507 : memref<1x1x32x768xf32, #tpu.memory_space<vmem_shared>> -> memref<32x768xf32, #tpu.memory_space<vmem_shared>>
    %dma_wait3A_509 = arith.constant 0 : i32
    %dma_wait3A_510 = arith.constant 0 : i32
    %dma_wait3A_511 = tpu.memref_slice %arg8[%arg1, %dma_wait3A_504, %dma_wait3A_509, %dma_wait3A_510] : memref<16x2x32x768xf32, #tpu.memory_space<vmem_shared>> -> memref<1x1x32x768xf32, #tpu.memory_space<vmem_shared>>
    %dma_wait3A_512 = tpu.memref_squeeze %dma_wait3A_511 : memref<1x1x32x768xf32, #tpu.memory_space<vmem_shared>> -> memref<32x768xf32, #tpu.memory_space<vmem_shared>>
    tpu.wait_dma2 semaphore(%arg11 : memref<!tpu.dma_semaphore, #tpu.memory_space<semaphore_mem>>) src(%arg6 : memref<32x768xf32, #tpu.memory_space<vmem>>) dst(%dma_wait3A_512 : memref<32x768xf32, #tpu.memory_space<vmem_shared>>)
    %add3A_513 = arith.constant 320 : i32
    %add3A_514 = arith.addi %mul3A_2, %add3A_513 : i32
    %dma_start3A_515 = arith.constant 0 : i32
    %dma_start3A_516 = arith.constant 0 : i32
    %dma_start3A_517 = tpu.memref_slice %arg4[%add3A_514, %dma_start3A_516] : memref<16384x768xf32, #tpu.memory_space<hbm>> -> memref<32x768xf32, #tpu.memory_space<hbm>>
    %dma_start3A_518 = arith.constant 0 : i32
    %dma_start3A_519 = arith.constant 0 : i32
    %dma_start3A_520 = tpu.memref_slice %arg8[%arg1, %dma_start3A_515, %dma_start3A_518, %dma_start3A_519] : memref<16x2x32x768xf32, #tpu.memory_space<vmem_shared>> -> memref<1x1x32x768xf32, #tpu.memory_space<vmem_shared>>
    %dma_start3A_521 = tpu.memref_squeeze %dma_start3A_520 : memref<1x1x32x768xf32, #tpu.memory_space<vmem_shared>> -> memref<32x768xf32, #tpu.memory_space<vmem_shared>>
    tpu.enqueue_dma source(%dma_start3A_521 : memref<32x768xf32, #tpu.memory_space<vmem_shared>>) target(%dma_start3A_517 : memref<32x768xf32, #tpu.memory_space<hbm>>) target_semaphore(%arg13 : memref<!tpu.dma_semaphore, #tpu.memory_space<semaphore_mem>>)
    %dma_wait3A_522 = arith.constant 11 : i32
    %dma_wait3A_523 = arith.constant 0 : i32
    %dma_wait3A_524 = tpu.memref_slice %arg5[%dma_wait3A_522, %dma_wait3A_523] : memref<14x32xi32, #tpu.memory_space<vmem>> -> memref<1x32xi32, #tpu.memory_space<vmem>>
    %dma_wait3A_525 = tpu.memref_squeeze %dma_wait3A_524 : memref<1x32xi32, #tpu.memory_space<vmem>> -> memref<32xi32, #tpu.memory_space<vmem>>
    %dma_wait3A_526 = arith.constant 0 : i32
    %dma_wait3A_527 = arith.constant 0 : i32
    %dma_wait3A_528 = tpu.memref_slice %arg2[%dma_wait3A_526, %dma_wait3A_527] : memref<1000x768xf32, #tpu.memory_space<hbm>> -> memref<1000x768xf32, #tpu.memory_space<hbm>>
    tpu.wait_indirect_dma semaphore(%arg10 : memref<!tpu.dma_semaphore, #tpu.memory_space<semaphore_mem>>) src(%dma_wait3A_528 : memref<1000x768xf32, #tpu.memory_space<hbm>>) dst(%arg7 : memref<32x768xf32, #tpu.memory_space<vmem>>)
    %dma_wait3A_529 = arith.constant 1 : i32
    %dma_wait3A_530 = arith.constant 0 : i32
    %dma_wait3A_531 = tpu.memref_slice %arg4[%add3A_466, %dma_wait3A_530] : memref<16384x768xf32, #tpu.memory_space<hbm>> -> memref<32x768xf32, #tpu.memory_space<hbm>>
    %dma_wait3A_532 = arith.constant 0 : i32
    %dma_wait3A_533 = arith.constant 0 : i32
    %dma_wait3A_534 = tpu.memref_slice %arg8[%arg1, %dma_wait3A_529, %dma_wait3A_532, %dma_wait3A_533] : memref<16x2x32x768xf32, #tpu.memory_space<vmem_shared>> -> memref<1x1x32x768xf32, #tpu.memory_space<vmem_shared>>
    %dma_wait3A_535 = tpu.memref_squeeze %dma_wait3A_534 : memref<1x1x32x768xf32, #tpu.memory_space<vmem_shared>> -> memref<32x768xf32, #tpu.memory_space<vmem_shared>>
    tpu.wait_dma2 semaphore(%arg14 : memref<!tpu.dma_semaphore, #tpu.memory_space<semaphore_mem>>) src(%dma_wait3A_535 : memref<32x768xf32, #tpu.memory_space<vmem_shared>>) dst(%dma_wait3A_531 : memref<32x768xf32, #tpu.memory_space<hbm>>)
    %dma_start3A_536 = arith.constant 1 : i32
    %dma_start3A_537 = arith.constant 0 : i32
    %dma_start3A_538 = arith.constant 0 : i32
    %dma_start3A_539 = tpu.memref_slice %arg8[%arg1, %dma_start3A_536, %dma_start3A_537, %dma_start3A_538] : memref<16x2x32x768xf32, #tpu.memory_space<vmem_shared>> -> memref<1x1x32x768xf32, #tpu.memory_space<vmem_shared>>
    %dma_start3A_540 = tpu.memref_squeeze %dma_start3A_539 : memref<1x1x32x768xf32, #tpu.memory_space<vmem_shared>> -> memref<32x768xf32, #tpu.memory_space<vmem_shared>>
    %dma_start3A_541 = arith.constant 0 : i32
    %dma_start3A_542 = arith.constant 0 : i32
    %dma_start3A_543 = tpu.memref_slice %arg8[%arg1, %dma_start3A_536, %dma_start3A_541, %dma_start3A_542] : memref<16x2x32x768xf32, #tpu.memory_space<vmem_shared>> -> memref<1x1x32x768xf32, #tpu.memory_space<vmem_shared>>
    %dma_start3A_544 = tpu.memref_squeeze %dma_start3A_543 : memref<1x1x32x768xf32, #tpu.memory_space<vmem_shared>> -> memref<32x768xf32, #tpu.memory_space<vmem_shared>>
    tpu.enqueue_dma source(%arg7 : memref<32x768xf32, #tpu.memory_space<vmem>>) target(%dma_start3A_544 : memref<32x768xf32, #tpu.memory_space<vmem_shared>>) target_semaphore(%arg12 : memref<!tpu.dma_semaphore, #tpu.memory_space<semaphore_mem>>)
    %dma_start3A_545 = arith.constant 12 : i32
    %dma_start3A_546 = arith.constant 0 : i32
    %dma_start3A_547 = tpu.memref_slice %arg5[%dma_start3A_545, %dma_start3A_546] : memref<14x32xi32, #tpu.memory_space<vmem>> -> memref<1x32xi32, #tpu.memory_space<vmem>>
    %dma_start3A_548 = tpu.memref_squeeze %dma_start3A_547 : memref<1x32xi32, #tpu.memory_space<vmem>> -> memref<32xi32, #tpu.memory_space<vmem>>
    %dma_start3A_549 = arith.constant 0 : i32
    %dma_start3A_550 = arith.constant 0 : i32
    %dma_start3A_551 = tpu.memref_slice %arg2[%dma_start3A_549, %dma_start3A_550] : memref<1000x768xf32, #tpu.memory_space<hbm>> -> memref<1000x768xf32, #tpu.memory_space<hbm>>
    tpu.enqueue_indirect_dma source(%dma_start3A_551 : memref<1000x768xf32, #tpu.memory_space<hbm>>) target(%arg6 : memref<32x768xf32, #tpu.memory_space<vmem>>) offsets(%dma_start3A_548 : memref<32xi32, #tpu.memory_space<vmem>>) semaphore(%arg9 : memref<!tpu.dma_semaphore, #tpu.memory_space<semaphore_mem>>)
    %dma_wait3A_552 = arith.constant 1 : i32
    %dma_wait3A_553 = arith.constant 0 : i32
    %dma_wait3A_554 = arith.constant 0 : i32
    %dma_wait3A_555 = tpu.memref_slice %arg8[%arg1, %dma_wait3A_552, %dma_wait3A_553, %dma_wait3A_554] : memref<16x2x32x768xf32, #tpu.memory_space<vmem_shared>> -> memref<1x1x32x768xf32, #tpu.memory_space<vmem_shared>>
    %dma_wait3A_556 = tpu.memref_squeeze %dma_wait3A_555 : memref<1x1x32x768xf32, #tpu.memory_space<vmem_shared>> -> memref<32x768xf32, #tpu.memory_space<vmem_shared>>
    %dma_wait3A_557 = arith.constant 0 : i32
    %dma_wait3A_558 = arith.constant 0 : i32
    %dma_wait3A_559 = tpu.memref_slice %arg8[%arg1, %dma_wait3A_552, %dma_wait3A_557, %dma_wait3A_558] : memref<16x2x32x768xf32, #tpu.memory_space<vmem_shared>> -> memref<1x1x32x768xf32, #tpu.memory_space<vmem_shared>>
    %dma_wait3A_560 = tpu.memref_squeeze %dma_wait3A_559 : memref<1x1x32x768xf32, #tpu.memory_space<vmem_shared>> -> memref<32x768xf32, #tpu.memory_space<vmem_shared>>
    tpu.wait_dma2 semaphore(%arg12 : memref<!tpu.dma_semaphore, #tpu.memory_space<semaphore_mem>>) src(%arg7 : memref<32x768xf32, #tpu.memory_space<vmem>>) dst(%dma_wait3A_560 : memref<32x768xf32, #tpu.memory_space<vmem_shared>>)
    %add3A_561 = arith.constant 352 : i32
    %add3A_562 = arith.addi %mul3A_2, %add3A_561 : i32
    %dma_start3A_563 = arith.constant 1 : i32
    %dma_start3A_564 = arith.constant 0 : i32
    %dma_start3A_565 = tpu.memref_slice %arg4[%add3A_562, %dma_start3A_564] : memref<16384x768xf32, #tpu.memory_space<hbm>> -> memref<32x768xf32, #tpu.memory_space<hbm>>
    %dma_start3A_566 = arith.constant 0 : i32
    %dma_start3A_567 = arith.constant 0 : i32
    %dma_start3A_568 = tpu.memref_slice %arg8[%arg1, %dma_start3A_563, %dma_start3A_566, %dma_start3A_567] : memref<16x2x32x768xf32, #tpu.memory_space<vmem_shared>> -> memref<1x1x32x768xf32, #tpu.memory_space<vmem_shared>>
    %dma_start3A_569 = tpu.memref_squeeze %dma_start3A_568 : memref<1x1x32x768xf32, #tpu.memory_space<vmem_shared>> -> memref<32x768xf32, #tpu.memory_space<vmem_shared>>
    tpu.enqueue_dma source(%dma_start3A_569 : memref<32x768xf32, #tpu.memory_space<vmem_shared>>) target(%dma_start3A_565 : memref<32x768xf32, #tpu.memory_space<hbm>>) target_semaphore(%arg14 : memref<!tpu.dma_semaphore, #tpu.memory_space<semaphore_mem>>)
    %dma_wait3A_570 = arith.constant 12 : i32
    %dma_wait3A_571 = arith.constant 0 : i32
    %dma_wait3A_572 = tpu.memref_slice %arg5[%dma_wait3A_570, %dma_wait3A_571] : memref<14x32xi32, #tpu.memory_space<vmem>> -> memref<1x32xi32, #tpu.memory_space<vmem>>
    %dma_wait3A_573 = tpu.memref_squeeze %dma_wait3A_572 : memref<1x32xi32, #tpu.memory_space<vmem>> -> memref<32xi32, #tpu.memory_space<vmem>>
    %dma_wait3A_574 = arith.constant 0 : i32
    %dma_wait3A_575 = arith.constant 0 : i32
    %dma_wait3A_576 = tpu.memref_slice %arg2[%dma_wait3A_574, %dma_wait3A_575] : memref<1000x768xf32, #tpu.memory_space<hbm>> -> memref<1000x768xf32, #tpu.memory_space<hbm>>
    tpu.wait_indirect_dma semaphore(%arg9 : memref<!tpu.dma_semaphore, #tpu.memory_space<semaphore_mem>>) src(%dma_wait3A_576 : memref<1000x768xf32, #tpu.memory_space<hbm>>) dst(%arg6 : memref<32x768xf32, #tpu.memory_space<vmem>>)
    %dma_wait3A_577 = arith.constant 0 : i32
    %dma_wait3A_578 = arith.constant 0 : i32
    %dma_wait3A_579 = tpu.memref_slice %arg4[%add3A_514, %dma_wait3A_578] : memref<16384x768xf32, #tpu.memory_space<hbm>> -> memref<32x768xf32, #tpu.memory_space<hbm>>
    %dma_wait3A_580 = arith.constant 0 : i32
    %dma_wait3A_581 = arith.constant 0 : i32
    %dma_wait3A_582 = tpu.memref_slice %arg8[%arg1, %dma_wait3A_577, %dma_wait3A_580, %dma_wait3A_581] : memref<16x2x32x768xf32, #tpu.memory_space<vmem_shared>> -> memref<1x1x32x768xf32, #tpu.memory_space<vmem_shared>>
    %dma_wait3A_583 = tpu.memref_squeeze %dma_wait3A_582 : memref<1x1x32x768xf32, #tpu.memory_space<vmem_shared>> -> memref<32x768xf32, #tpu.memory_space<vmem_shared>>
    tpu.wait_dma2 semaphore(%arg13 : memref<!tpu.dma_semaphore, #tpu.memory_space<semaphore_mem>>) src(%dma_wait3A_583 : memref<32x768xf32, #tpu.memory_space<vmem_shared>>) dst(%dma_wait3A_579 : memref<32x768xf32, #tpu.memory_space<hbm>>)
    %dma_start3A_584 = arith.constant 0 : i32
    %dma_start3A_585 = arith.constant 0 : i32
    %dma_start3A_586 = arith.constant 0 : i32
    %dma_start3A_587 = tpu.memref_slice %arg8[%arg1, %dma_start3A_584, %dma_start3A_585, %dma_start3A_586] : memref<16x2x32x768xf32, #tpu.memory_space<vmem_shared>> -> memref<1x1x32x768xf32, #tpu.memory_space<vmem_shared>>
    %dma_start3A_588 = tpu.memref_squeeze %dma_start3A_587 : memref<1x1x32x768xf32, #tpu.memory_space<vmem_shared>> -> memref<32x768xf32, #tpu.memory_space<vmem_shared>>
    %dma_start3A_589 = arith.constant 0 : i32
    %dma_start3A_590 = arith.constant 0 : i32
    %dma_start3A_591 = tpu.memref_slice %arg8[%arg1, %dma_start3A_584, %dma_start3A_589, %dma_start3A_590] : memref<16x2x32x768xf32, #tpu.memory_space<vmem_shared>> -> memref<1x1x32x768xf32, #tpu.memory_space<vmem_shared>>
    %dma_start3A_592 = tpu.memref_squeeze %dma_start3A_591 : memref<1x1x32x768xf32, #tpu.memory_space<vmem_shared>> -> memref<32x768xf32, #tpu.memory_space<vmem_shared>>
    tpu.enqueue_dma source(%arg6 : memref<32x768xf32, #tpu.memory_space<vmem>>) target(%dma_start3A_592 : memref<32x768xf32, #tpu.memory_space<vmem_shared>>) target_semaphore(%arg11 : memref<!tpu.dma_semaphore, #tpu.memory_space<semaphore_mem>>)
    %dma_start3A_593 = arith.constant 13 : i32
    %dma_start3A_594 = arith.constant 0 : i32
    %dma_start3A_595 = tpu.memref_slice %arg5[%dma_start3A_593, %dma_start3A_594] : memref<14x32xi32, #tpu.memory_space<vmem>> -> memref<1x32xi32, #tpu.memory_space<vmem>>
    %dma_start3A_596 = tpu.memref_squeeze %dma_start3A_595 : memref<1x32xi32, #tpu.memory_space<vmem>> -> memref<32xi32, #tpu.memory_space<vmem>>
    %dma_start3A_597 = arith.constant 0 : i32
    %dma_start3A_598 = arith.constant 0 : i32
    %dma_start3A_599 = tpu.memref_slice %arg2[%dma_start3A_597, %dma_start3A_598] : memref<1000x768xf32, #tpu.memory_space<hbm>> -> memref<1000x768xf32, #tpu.memory_space<hbm>>
    tpu.enqueue_indirect_dma source(%dma_start3A_599 : memref<1000x768xf32, #tpu.memory_space<hbm>>) target(%arg7 : memref<32x768xf32, #tpu.memory_space<vmem>>) offsets(%dma_start3A_596 : memref<32xi32, #tpu.memory_space<vmem>>) semaphore(%arg10 : memref<!tpu.dma_semaphore, #tpu.memory_space<semaphore_mem>>)
    %dma_wait3A_600 = arith.constant 0 : i32
    %dma_wait3A_601 = arith.constant 0 : i32
    %dma_wait3A_602 = arith.constant 0 : i32
    %dma_wait3A_603 = tpu.memref_slice %arg8[%arg1, %dma_wait3A_600, %dma_wait3A_601, %dma_wait3A_602] : memref<16x2x32x768xf32, #tpu.memory_space<vmem_shared>> -> memref<1x1x32x768xf32, #tpu.memory_space<vmem_shared>>
    %dma_wait3A_604 = tpu.memref_squeeze %dma_wait3A_603 : memref<1x1x32x768xf32, #tpu.memory_space<vmem_shared>> -> memref<32x768xf32, #tpu.memory_space<vmem_shared>>
    %dma_wait3A_605 = arith.constant 0 : i32
    %dma_wait3A_606 = arith.constant 0 : i32
    %dma_wait3A_607 = tpu.memref_slice %arg8[%arg1, %dma_wait3A_600, %dma_wait3A_605, %dma_wait3A_606] : memref<16x2x32x768xf32, #tpu.memory_space<vmem_shared>> -> memref<1x1x32x768xf32, #tpu.memory_space<vmem_shared>>
    %dma_wait3A_608 = tpu.memref_squeeze %dma_wait3A_607 : memref<1x1x32x768xf32, #tpu.memory_space<vmem_shared>> -> memref<32x768xf32, #tpu.memory_space<vmem_shared>>
    tpu.wait_dma2 semaphore(%arg11 : memref<!tpu.dma_semaphore, #tpu.memory_space<semaphore_mem>>) src(%arg6 : memref<32x768xf32, #tpu.memory_space<vmem>>) dst(%dma_wait3A_608 : memref<32x768xf32, #tpu.memory_space<vmem_shared>>)
    %add3A_609 = arith.constant 384 : i32
    %add3A_610 = arith.addi %mul3A_2, %add3A_609 : i32
    %dma_start3A_611 = arith.constant 0 : i32
    %dma_start3A_612 = arith.constant 0 : i32
    %dma_start3A_613 = tpu.memref_slice %arg4[%add3A_610, %dma_start3A_612] : memref<16384x768xf32, #tpu.memory_space<hbm>> -> memref<32x768xf32, #tpu.memory_space<hbm>>
    %dma_start3A_614 = arith.constant 0 : i32
    %dma_start3A_615 = arith.constant 0 : i32
    %dma_start3A_616 = tpu.memref_slice %arg8[%arg1, %dma_start3A_611, %dma_start3A_614, %dma_start3A_615] : memref<16x2x32x768xf32, #tpu.memory_space<vmem_shared>> -> memref<1x1x32x768xf32, #tpu.memory_space<vmem_shared>>
    %dma_start3A_617 = tpu.memref_squeeze %dma_start3A_616 : memref<1x1x32x768xf32, #tpu.memory_space<vmem_shared>> -> memref<32x768xf32, #tpu.memory_space<vmem_shared>>
    tpu.enqueue_dma source(%dma_start3A_617 : memref<32x768xf32, #tpu.memory_space<vmem_shared>>) target(%dma_start3A_613 : memref<32x768xf32, #tpu.memory_space<hbm>>) target_semaphore(%arg13 : memref<!tpu.dma_semaphore, #tpu.memory_space<semaphore_mem>>)
    %dma_wait3A_618 = arith.constant 13 : i32
    %dma_wait3A_619 = arith.constant 0 : i32
    %dma_wait3A_620 = tpu.memref_slice %arg5[%dma_wait3A_618, %dma_wait3A_619] : memref<14x32xi32, #tpu.memory_space<vmem>> -> memref<1x32xi32, #tpu.memory_space<vmem>>
    %dma_wait3A_621 = tpu.memref_squeeze %dma_wait3A_620 : memref<1x32xi32, #tpu.memory_space<vmem>> -> memref<32xi32, #tpu.memory_space<vmem>>
    %dma_wait3A_622 = arith.constant 0 : i32
    %dma_wait3A_623 = arith.constant 0 : i32
    %dma_wait3A_624 = tpu.memref_slice %arg2[%dma_wait3A_622, %dma_wait3A_623] : memref<1000x768xf32, #tpu.memory_space<hbm>> -> memref<1000x768xf32, #tpu.memory_space<hbm>>
    tpu.wait_indirect_dma semaphore(%arg10 : memref<!tpu.dma_semaphore, #tpu.memory_space<semaphore_mem>>) src(%dma_wait3A_624 : memref<1000x768xf32, #tpu.memory_space<hbm>>) dst(%arg7 : memref<32x768xf32, #tpu.memory_space<vmem>>)
    %dma_wait3A_625 = arith.constant 1 : i32
    %dma_wait3A_626 = arith.constant 0 : i32
    %dma_wait3A_627 = tpu.memref_slice %arg4[%add3A_562, %dma_wait3A_626] : memref<16384x768xf32, #tpu.memory_space<hbm>> -> memref<32x768xf32, #tpu.memory_space<hbm>>
    %dma_wait3A_628 = arith.constant 0 : i32
    %dma_wait3A_629 = arith.constant 0 : i32
    %dma_wait3A_630 = tpu.memref_slice %arg8[%arg1, %dma_wait3A_625, %dma_wait3A_628, %dma_wait3A_629] : memref<16x2x32x768xf32, #tpu.memory_space<vmem_shared>> -> memref<1x1x32x768xf32, #tpu.memory_space<vmem_shared>>
    %dma_wait3A_631 = tpu.memref_squeeze %dma_wait3A_630 : memref<1x1x32x768xf32, #tpu.memory_space<vmem_shared>> -> memref<32x768xf32, #tpu.memory_space<vmem_shared>>
    tpu.wait_dma2 semaphore(%arg14 : memref<!tpu.dma_semaphore, #tpu.memory_space<semaphore_mem>>) src(%dma_wait3A_631 : memref<32x768xf32, #tpu.memory_space<vmem_shared>>) dst(%dma_wait3A_627 : memref<32x768xf32, #tpu.memory_space<hbm>>)
    %dma_start3A_632 = arith.constant 1 : i32
    %dma_start3A_633 = arith.constant 0 : i32
    %dma_start3A_634 = arith.constant 0 : i32
    %dma_start3A_635 = tpu.memref_slice %arg8[%arg1, %dma_start3A_632, %dma_start3A_633, %dma_start3A_634] : memref<16x2x32x768xf32, #tpu.memory_space<vmem_shared>> -> memref<1x1x32x768xf32, #tpu.memory_space<vmem_shared>>
    %dma_start3A_636 = tpu.memref_squeeze %dma_start3A_635 : memref<1x1x32x768xf32, #tpu.memory_space<vmem_shared>> -> memref<32x768xf32, #tpu.memory_space<vmem_shared>>
    %dma_start3A_637 = arith.constant 0 : i32
    %dma_start3A_638 = arith.constant 0 : i32
    %dma_start3A_639 = tpu.memref_slice %arg8[%arg1, %dma_start3A_632, %dma_start3A_637, %dma_start3A_638] : memref<16x2x32x768xf32, #tpu.memory_space<vmem_shared>> -> memref<1x1x32x768xf32, #tpu.memory_space<vmem_shared>>
    %dma_start3A_640 = tpu.memref_squeeze %dma_start3A_639 : memref<1x1x32x768xf32, #tpu.memory_space<vmem_shared>> -> memref<32x768xf32, #tpu.memory_space<vmem_shared>>
    tpu.enqueue_dma source(%arg7 : memref<32x768xf32, #tpu.memory_space<vmem>>) target(%dma_start3A_640 : memref<32x768xf32, #tpu.memory_space<vmem_shared>>) target_semaphore(%arg12 : memref<!tpu.dma_semaphore, #tpu.memory_space<semaphore_mem>>)
    %dma_wait3A_641 = arith.constant 1 : i32
    %dma_wait3A_642 = arith.constant 0 : i32
    %dma_wait3A_643 = arith.constant 0 : i32
    %dma_wait3A_644 = tpu.memref_slice %arg8[%arg1, %dma_wait3A_641, %dma_wait3A_642, %dma_wait3A_643] : memref<16x2x32x768xf32, #tpu.memory_space<vmem_shared>> -> memref<1x1x32x768xf32, #tpu.memory_space<vmem_shared>>
    %dma_wait3A_645 = tpu.memref_squeeze %dma_wait3A_644 : memref<1x1x32x768xf32, #tpu.memory_space<vmem_shared>> -> memref<32x768xf32, #tpu.memory_space<vmem_shared>>
    %dma_wait3A_646 = arith.constant 0 : i32
    %dma_wait3A_647 = arith.constant 0 : i32
    %dma_wait3A_648 = tpu.memref_slice %arg8[%arg1, %dma_wait3A_641, %dma_wait3A_646, %dma_wait3A_647] : memref<16x2x32x768xf32, #tpu.memory_space<vmem_shared>> -> memref<1x1x32x768xf32, #tpu.memory_space<vmem_shared>>
    %dma_wait3A_649 = tpu.memref_squeeze %dma_wait3A_648 : memref<1x1x32x768xf32, #tpu.memory_space<vmem_shared>> -> memref<32x768xf32, #tpu.memory_space<vmem_shared>>
    tpu.wait_dma2 semaphore(%arg12 : memref<!tpu.dma_semaphore, #tpu.memory_space<semaphore_mem>>) src(%arg7 : memref<32x768xf32, #tpu.memory_space<vmem>>) dst(%dma_wait3A_649 : memref<32x768xf32, #tpu.memory_space<vmem_shared>>)
    %add3A_650 = arith.constant 416 : i32
    %add3A_651 = arith.addi %mul3A_2, %add3A_650 : i32
    %dma_start3A_652 = arith.constant 1 : i32
    %dma_start3A_653 = arith.constant 0 : i32
    %dma_start3A_654 = tpu.memref_slice %arg4[%add3A_651, %dma_start3A_653] : memref<16384x768xf32, #tpu.memory_space<hbm>> -> memref<32x768xf32, #tpu.memory_space<hbm>>
    %dma_start3A_655 = arith.constant 0 : i32
    %dma_start3A_656 = arith.constant 0 : i32
    %dma_start3A_657 = tpu.memref_slice %arg8[%arg1, %dma_start3A_652, %dma_start3A_655, %dma_start3A_656] : memref<16x2x32x768xf32, #tpu.memory_space<vmem_shared>> -> memref<1x1x32x768xf32, #tpu.memory_space<vmem_shared>>
    %dma_start3A_658 = tpu.memref_squeeze %dma_start3A_657 : memref<1x1x32x768xf32, #tpu.memory_space<vmem_shared>> -> memref<32x768xf32, #tpu.memory_space<vmem_shared>>
    tpu.enqueue_dma source(%dma_start3A_658 : memref<32x768xf32, #tpu.memory_space<vmem_shared>>) target(%dma_start3A_654 : memref<32x768xf32, #tpu.memory_space<hbm>>) target_semaphore(%arg14 : memref<!tpu.dma_semaphore, #tpu.memory_space<semaphore_mem>>)
    %dma_wait3A_659 = arith.constant 0 : i32
    %dma_wait3A_660 = arith.constant 0 : i32
    %dma_wait3A_661 = tpu.memref_slice %arg4[%add3A_610, %dma_wait3A_660] : memref<16384x768xf32, #tpu.memory_space<hbm>> -> memref<32x768xf32, #tpu.memory_space<hbm>>
    %dma_wait3A_662 = arith.constant 0 : i32
    %dma_wait3A_663 = arith.constant 0 : i32
    %dma_wait3A_664 = tpu.memref_slice %arg8[%arg1, %dma_wait3A_659, %dma_wait3A_662, %dma_wait3A_663] : memref<16x2x32x768xf32, #tpu.memory_space<vmem_shared>> -> memref<1x1x32x768xf32, #tpu.memory_space<vmem_shared>>
    %dma_wait3A_665 = tpu.memref_squeeze %dma_wait3A_664 : memref<1x1x32x768xf32, #tpu.memory_space<vmem_shared>> -> memref<32x768xf32, #tpu.memory_space<vmem_shared>>
    tpu.wait_dma2 semaphore(%arg13 : memref<!tpu.dma_semaphore, #tpu.memory_space<semaphore_mem>>) src(%dma_wait3A_665 : memref<32x768xf32, #tpu.memory_space<vmem_shared>>) dst(%dma_wait3A_661 : memref<32x768xf32, #tpu.memory_space<hbm>>)
    %dma_wait3A_666 = arith.constant 1 : i32
    %dma_wait3A_667 = arith.constant 0 : i32
    %dma_wait3A_668 = tpu.memref_slice %arg4[%add3A_651, %dma_wait3A_667] : memref<16384x768xf32, #tpu.memory_space<hbm>> -> memref<32x768xf32, #tpu.memory_space<hbm>>
    %dma_wait3A_669 = arith.constant 0 : i32
    %dma_wait3A_670 = arith.constant 0 : i32
    %dma_wait3A_671 = tpu.memref_slice %arg8[%arg1, %dma_wait3A_666, %dma_wait3A_669, %dma_wait3A_670] : memref<16x2x32x768xf32, #tpu.memory_space<vmem_shared>> -> memref<1x1x32x768xf32, #tpu.memory_space<vmem_shared>>
    %dma_wait3A_672 = tpu.memref_squeeze %dma_wait3A_671 : memref<1x1x32x768xf32, #tpu.memory_space<vmem_shared>> -> memref<32x768xf32, #tpu.memory_space<vmem_shared>>
    tpu.wait_dma2 semaphore(%arg14 : memref<!tpu.dma_semaphore, #tpu.memory_space<semaphore_mem>>) src(%dma_wait3A_672 : memref<32x768xf32, #tpu.memory_space<vmem_shared>>) dst(%dma_wait3A_668 : memref<32x768xf32, #tpu.memory_space<hbm>>)
    return
  }
}

module attributes {stable_mosaic.version = 14 : i64} {
  func.func @_mm_body(%arg0: i32, %arg1: memref<2048x768xf32, #tpu.memory_space<vmem>>, %arg2: memref<768x768xf32, #tpu.memory_space<vmem>>, %arg3: memref<1x768xf32, #tpu.memory_space<vmem>>, %arg4: memref<2048x768xf32, #tpu.memory_space<vmem>>) attributes {dimension_semantics = [#tpu.dimension_semantics<arbitrary>], iteration_bounds = array<i64: 8>, scalar_prefetch = 0 : i64, scratch_operands = 0 : i64, tpu.core_type = #tpu.core_type<tc>, window_params = [{transform_indices = @transform_0, window_bounds = array<i64: 2048, 768>}, {pipeline_mode = #tpu.pipeline_mode<synchronous>, transform_indices = @transform_1, window_bounds = array<i64: 768, 768>}, {pipeline_mode = #tpu.pipeline_mode<synchronous>, transform_indices = @transform_2, window_bounds = array<i64: 1, 768>}, {transform_indices = @transform_3, window_bounds = array<i64: 2048, 768>}]} {
    %get3A = arith.constant 0 : index
    %get3A_0 = arith.constant 0 : index
    %get3A_1 = vector.load %arg1[%get3A, %get3A_0] : memref<2048x768xf32, #tpu.memory_space<vmem>>, vector<2048x768xf32>
    %get3A_2 = arith.constant 0 : index
    %get3A_3 = arith.constant 0 : index
    %get3A_4 = vector.load %arg2[%get3A_2, %get3A_3] : memref<768x768xf32, #tpu.memory_space<vmem>>, vector<768x768xf32>
    %dot_general3A = arith.constant dense<0.000000e+00> : vector<2048x768xf32>
    %dot_general3A_5 = tpu.matmul %get3A_1, %get3A_4, %dot_general3A {dimension_numbers = #tpu.dot_dimension_numbers<[1], [1], [0], [0], [0, 0, 1, 0], [], []>, transpose_lhs_hint = false} : vector<2048x768xf32>, vector<768x768xf32>, vector<2048x768xf32> -> vector<2048x768xf32>
    %get3A_6 = arith.constant 0 : index
    %get3A_7 = arith.constant 0 : index
    %get3A_8 = vector.load %arg3[%get3A_6, %get3A_7] : memref<1x768xf32, #tpu.memory_space<vmem>>, vector<1x768xf32>
    %add3A = vector.broadcast %get3A_8 : vector<1x768xf32> to vector<2048x768xf32>
    %add3A_9 = arith.addf %dot_general3A_5, %add3A : vector<2048x768xf32>
    %swap3A = arith.constant 0 : index
    %swap3A_10 = arith.constant 0 : index
    %swap3A_11 = vector.load %arg4[%swap3A, %swap3A_10] : memref<2048x768xf32, #tpu.memory_space<vmem>>, vector<2048x768xf32>
    tpu.vector_store %arg4[%swap3A, %swap3A_10], %add3A_9 {strides = array<i32>} : memref<2048x768xf32, #tpu.memory_space<vmem>>, vector<2048x768xf32>,
    return
  }
  func.func @transform_0(%arg0: i32) -> (i32, i32) {
    %c0_i32 = arith.constant 0 : i32
    %c0_i32_0 = arith.constant 0 : i32
    return %arg0, %c0_i32 : i32, i32
  }
  func.func @transform_1(%arg0: i32) -> (i32, i32) {
    %c0_i32 = arith.constant 0 : i32
    %c0_i32_0 = arith.constant 0 : i32
    %c0_i32_1 = arith.constant 0 : i32
    return %c0_i32, %c0_i32_0 : i32, i32
  }
  func.func @transform_2(%arg0: i32) -> (i32, i32) {
    %c0_i32 = arith.constant 0 : i32
    %c0_i32_0 = arith.constant 0 : i32
    %c0_i32_1 = arith.constant 0 : i32
    return %c0_i32, %c0_i32_0 : i32, i32
  }
  func.func @transform_3(%arg0: i32) -> (i32, i32) {
    %c0_i32 = arith.constant 0 : i32
    %c0_i32_0 = arith.constant 0 : i32
    return %arg0, %c0_i32 : i32, i32
  }
}

module attributes {stable_mosaic.version = 14 : i64} {
  func.func @_onehot_body(%arg0: i32, %arg1: memref<16384x768xf32, #tpu.memory_space<any>>, %arg2: memref<1x2048xi32, #tpu.memory_space<vmem>>, %arg3: memref<1000x768xf32, #tpu.memory_space<vmem>>, %arg4: memref<2048x768xf32, #tpu.memory_space<vmem>>) attributes {dimension_semantics = [#tpu.dimension_semantics<arbitrary>], iteration_bounds = array<i64: 1>, scalar_prefetch = 0 : i64, scratch_operands = 0 : i64, tpu.core_type = #tpu.core_type<tc>, window_params = [{}, {transform_indices = @transform_1, window_bounds = array<i64: 1, 2048>}, {pipeline_mode = #tpu.pipeline_mode<synchronous>, transform_indices = @transform_2, window_bounds = array<i64: 1000, 768>}, {transform_indices = @transform_3, window_bounds = array<i64: 2048, 768>}]} {
    %get3A = arith.constant 0 : index
    %get3A_0 = arith.constant 0 : index
    %get3A_1 = vector.load %arg2[%get3A, %get3A_0] : memref<1x2048xi32, #tpu.memory_space<vmem>>, vector<1x2048xi32>
    %get3A_2 = vector.shape_cast %get3A_1 : vector<1x2048xi32> to vector<2048xi32>
    %iota3A = tpu.iota {dimensions = array<i32: 1>} : vector<2048x1000xi32>
    %broadcast_in_dim3A = vector.shape_cast %get3A_2 : vector<2048xi32> to vector<2048x1xi32>
    %eq3A = vector.broadcast %broadcast_in_dim3A : vector<2048x1xi32> to vector<2048x1000xi32>
    %eq3A_3 = arith.cmpi eq, %iota3A, %eq3A : vector<2048x1000xi32>
    %convert_element_type3A = arith.extui %eq3A_3 : vector<2048x1000xi1> to vector<2048x1000xi32>
    %convert_element_type3A_4 = arith.sitofp %convert_element_type3A : vector<2048x1000xi32> to vector<2048x1000xf32>
    %convert_element_type3A_5 = arith.truncf %convert_element_type3A_4 : vector<2048x1000xf32> to vector<2048x1000xbf16>
    %get3A_6 = arith.constant 0 : index
    %get3A_7 = arith.constant 0 : index
    %get3A_8 = vector.load %arg3[%get3A_6, %get3A_7] : memref<1000x768xf32, #tpu.memory_space<vmem>>, vector<1000x768xf32>
    %convert_element_type3A_9 = arith.truncf %get3A_8 : vector<1000x768xf32> to vector<1000x768xbf16>
    %dot_general3A = arith.constant dense<0.000000e+00> : vector<2048x768xf32>
    %dot_general3A_10 = tpu.matmul %convert_element_type3A_5, %convert_element_type3A_9, %dot_general3A {dimension_numbers = #tpu.dot_dimension_numbers<[1], [0], [0], [1], [0, 0, 1, 1], [], []>, transpose_lhs_hint = false} : vector<2048x1000xbf16>, vector<1000x768xbf16>, vector<2048x768xf32> -> vector<2048x768xf32>
    %swap3A = arith.constant 0 : index
    %swap3A_11 = arith.constant 0 : index
    %swap3A_12 = vector.load %arg4[%swap3A, %swap3A_11] : memref<2048x768xf32, #tpu.memory_space<vmem>>, vector<2048x768xf32>
    tpu.vector_store %arg4[%swap3A, %swap3A_11], %dot_general3A_10 {strides = array<i32>} : memref<2048x768xf32, #tpu.memory_space<vmem>>, vector<2048x768xf32>,
    return
  }
  func.func @transform_1(%arg0: i32) -> (i32, i32) {
    %add3A = arith.constant 7 : i32
    %add3A_0 = arith.addi %add3A, %arg0 : i32
    %c0_i32 = arith.constant 0 : i32
    %c0_i32_1 = arith.constant 0 : i32
    return %c0_i32, %add3A_0 : i32, i32
  }
  func.func @transform_2(%arg0: i32) -> (i32, i32) {
    %c0_i32 = arith.constant 0 : i32
    %c0_i32_0 = arith.constant 0 : i32
    %c0_i32_1 = arith.constant 0 : i32
    return %c0_i32, %c0_i32_0 : i32, i32
  }
  func.func @transform_3(%arg0: i32) -> (i32, i32) {
    %add3A = arith.constant 7 : i32
    %add3A_0 = arith.addi %add3A, %arg0 : i32
    %c0_i32 = arith.constant 0 : i32
    %c0_i32_1 = arith.constant 0 : i32
    return %add3A_0, %c0_i32 : i32, i32
  }
}

</mosaic_0001>

<sc_bundles>
// kernel: kernel.5.cloned.1.call-start
scs
__scs_entry_jumppad:
0x0: {  	(pc) =	sbr.rel $0x88, $3  }
0x1: {  	(tag) =	ssettag $0x0;
	lr =	simm.s32 $0x1  }
0x2: {  	[smem:$0x3F9C] =	sst lr;
	_ =	strace $0xD0000000  }
0x3: {  	_ = 	snop  }
0x4: {  	_ = 	snop  }
0x5: {  	_ = 	snop  }
0x6: {  	_ = 	snop  }
0x7: {  	_ = 	snop  }
__scs_overlays_trampoline_lowered:
0x8: {  	[smem:$0x3FAB] =	sst s0  }
0x9: {  	[smem:$0x3FAC] =	sst s1  }
0xa: {  	[smem:$0x3FAD] =	sst s2  }
0xb: {  	[smem:$0x3FAE] =	sst s3  }
0xc: {  	[smem:$0x3FAF] =	sst s4  }
0xd: {  	[smem:$0x3FB0] =	sst s5  }
0xe: {  	[smem:$0x3FB1] =	sst s6  }
0xf: {  	[smem:$0x3FB2] =	sst s7  }
0x10: {  	[smem:$0x3FB3] =	sst s8  }
0x11: {  	[smem:$0x3FB4] =	sst s9;
	s0 =	simm.s32 @!p0 $0x0  }
0x12: {  	s1 =	sld [smem:$0x3F9A];
	s0 =	simm.s32 @p0 $0x1  }
0x13: {  	[smem:$0x3FB5] =	sst s0;
	s0 =	simm.s32 @!p1 $0x0  }
0x14: {  	s2 =	sld [smem:$0x3F99];
	s0 =	simm.s32 @p1 $0x1  }
0x15: {  	[smem:$0x3FB6] =	sst s0;
	s0 =	simm.s32 @!p2 $0x0  }
0x16: {  	s3 =	sld [smem:$0x3FDB];
	s0 =	simm.s32 @p2 $0x1  }
0x17: {  	s4 =	simm.s32 $0x1BF5;
	[smem:$0x3FB8] =	sst s0  }
0x18: {  	s0 =	sld [smem:$0x3F9B];
	_ =	swait.ge [sflag:s4], $0x0  }
0x19: {  	s7 =	sld [smem:$0x3F9C]  }
0x1a: {  	s8 =	sadd.s32 $0xFFFFE003, lr  }
0x1b: {  	s9 =	sadd.s32 $0xFFFFFEF7, lr;
	s5 =	simm.s32 $0xFFFFFFFF;
	p2 =	slt.u32 s8, $0xFFFFF086  }
0x1c: {  	p1 =	slt.u32 s9, $0xF7A;
	s5 =	simm.s32 @!p2 $0x0  }
0x1d: {  	s5 =	simm.s32 @p1 $0x1;
	p0 =	seq.s32 s7, s2  }
0x1e: {  	s7 =	smul.u32 @!p0 $0xF7A, s2;
	p2 =	seq.s32 @!p0 s5, $0x0  }
0x1f: {  	s9 =	smul.u32 $0xF7A, s1;
	s8 =	simm.s32 @!p0 $0x1BF5;
	p2 =	por !p2, p0  }
0x20: {  	[sflag:s8] =	ssyncset.s32 @!p0 $0xFFFFF086;
	s6 =	sadd.s32 @!p0 s3, s7;
	s7 =	simm.s32 @!p0 $0x108  }
0x21: {  	s3 =	sadd.s32 s3, s9;
	s6 =	sadd.s32 @!p0 $0x88, s6;
	s7 =	simm.s32 @p2 $0x1082  }
0x22: {  	[simem:s7], [sflag:s8] =	dma.local @!p0 [hbm:s6], $0xF7A  }
0x23: {  	s9 =	sor.u32 $0xD0000000, s2;
	s6 =	simm.s32 $0x108;
	_ =	swait.ge @!p0 [sflag:s8], $0x0  }
0x24: {  	s3 =	sadd.s32 $0x88, s3;
	s6 =	simm.s32 @!p1 $0x1082;
	[sflag:s4] =	ssyncset.s32 $0xFFFFF086  }
0x25: {  	[simem:s6], [sflag:s4] =	dma.local [hbm:s3], $0xF7A  }
0x26: {  	[smem:$0x3F9C] =	sst s1;
	(tag) =	ssettag s2;
	_ =	strace s9  }
0x27: {  	s1 =	sld [smem:$0x3FAC]  }
0x28: {  	s2 =	sld [smem:$0x3FAD]  }
0x29: {  	s4 =	sld [smem:$0x3FAF]  }
0x2a: {  	p0 =	seq.s32 s5, $0x0;
	s5 =	sld [smem:$0x3FB0]  }
0x2b: {  	s6 =	sld [smem:$0x3FB1]  }
0x2c: {  	s7 =	sld [smem:$0x3FB2]  }
0x2d: {  	s3 =	simm.s32 $0x108;
	s8 =	sld [smem:$0x3FB3]  }
0x2e: {  	s3 =	simm.s32 @!p0 $0x1082;
	s9 =	sld [smem:$0x3FB4]  }
0x2f: {  	lr =	sadd.s32 s0, s3;
	s0 =	sld [smem:$0x3FAB]  }
0x30: {  	s3 =	sld [smem:$0x3FAE]  }
0x31: {  	[smem:$0x3FB7] =	sst s10  }
0x32: {  	s10 =	sld [smem:$0x3FB5];
	_ =	sdelay $0x3  }
0x33: {  	p0 =	seq.s32 s10, $0x1;
	s10 =	sld [smem:$0x3FB7];
	_ =	sdelay $0x3  }
0x34: {  	[smem:$0x3FB7] =	sst s10  }
0x35: {  	s10 =	sld [smem:$0x3FB6];
	_ =	sdelay $0x3  }
0x36: {  	p1 =	seq.s32 s10, $0x1;
	s10 =	sld [smem:$0x3FB7];
	_ =	sdelay $0x3  }
0x37: {  	[smem:$0x3FB7] =	sst s10  }
0x38: {  	s10 =	sld [smem:$0x3FB8]  }
0x39: {  	_ = 	snop;
	(pc) =	sbr.ind lr, $3  }
0x3a: {  	_ = 	snop  }
0x3b: {  	_ = 	snop  }
0x3c: {  	p2 =	seq.s32 s10, $0x1;
	s10 =	sld [smem:$0x3FB7]  }
0x3d: {  	_ =	shalt  }
0x3e: {  	_ =	shalt  }
0x3f: {  	_ =	shalt  }
0x40: {  	_ =	shalt  }
0x41: {  	_ =	shalt  }
0x42: {  	_ =	shalt  }
0x43: {  	_ =	shalt  }
0x44: {  	_ =	shalt  }
0x45: {  	_ =	shalt  }
0x46: {  	_ =	shalt  }
0x47: {  	_ =	shalt  }
0x48: {  	_ =	shalt  }
0x49: {  	_ =	shalt  }
0x4a: {  	_ =	shalt  }
0x4b: {  	_ =	shalt  }
0x4c: {  	_ =	shalt  }
0x4d: {  	_ =	shalt  }
0x4e: {  	_ =	shalt  }
0x4f: {  	_ =	shalt  }
0x50: {  	_ =	shalt  }
0x51: {  	_ =	shalt  }
0x52: {  	_ =	shalt  }
0x53: {  	_ =	shalt  }
0x54: {  	_ =	shalt  }
0x55: {  	_ =	shalt  }
0x56: {  	_ =	shalt  }
0x57: {  	_ =	shalt  }
0x58: {  	_ =	shalt  }
0x59: {  	_ =	shalt  }
0x5a: {  	_ =	shalt  }
0x5b: {  	_ =	shalt  }
0x5c: {  	_ =	shalt  }
0x5d: {  	_ =	shalt  }
0x5e: {  	_ =	shalt  }
0x5f: {  	_ =	shalt  }
0x60: {  	_ =	shalt  }
0x61: {  	_ =	shalt  }
0x62: {  	_ =	shalt  }
0x63: {  	_ =	shalt  }
0x64: {  	_ =	shalt  }
0x65: {  	_ =	shalt  }
0x66: {  	_ =	shalt  }
0x67: {  	_ =	shalt  }
0x68: {  	_ =	shalt  }
0x69: {  	_ =	shalt  }
0x6a: {  	_ =	shalt  }
0x6b: {  	_ =	shalt  }
0x6c: {  	_ =	shalt  }
0x6d: {  	_ =	shalt  }
0x6e: {  	_ =	shalt  }
0x6f: {  	_ =	shalt  }
0x70: {  	_ =	shalt  }
0x71: {  	_ =	shalt  }
0x72: {  	_ =	shalt  }
0x73: {  	_ =	shalt  }
0x74: {  	_ =	shalt  }
0x75: {  	_ =	shalt  }
0x76: {  	_ =	shalt  }
0x77: {  	_ =	shalt  }
0x78: {  	_ =	shalt  }
0x79: {  	_ =	shalt  }
0x7a: {  	_ =	shalt  }
0x7b: {  	_ =	shalt  }
0x7c: {  	_ =	shalt  }
0x7d: {  	_ =	shalt  }
0x7e: {  	_ =	shalt  }
0x7f: {  	_ =	shalt  }
0x80: {  	_ =	shalt  }
0x81: {  	_ =	shalt  }
0x82: {  	_ =	shalt  }
0x83: {  	_ =	shalt  }
0x84: {  	_ =	shalt  }
0x85: {  	_ =	shalt  }
0x86: {  	_ =	shalt  }
0x87: {  	_ =	shalt  }
.Lfunc_end0:
.L_simem_size_0:
called_computation_lowered:
.L_overlay_start_0:
0x88: {  	s2 =	sld [smem:$0x3FD9]  }
0x89: {  	s3 =	sld [smem:$0x3FFE];
	_ =	sdelay $0x1  }
0x8a: {  	s1 =	srdreg.scid  }
0x8b: {  	s0 =	sand.u32 $0x1, s1  }
0x8c: {  	s14 =	sshll.u32 s0, $0xA;
	s2 =	sadd.s32 s3, s2  }
0x8d: {  	s2 =	sadd.s32 s2, s14  }
0x8e: {  	[smem:$0x3FC3] =	sst s2  }
0x8f: {  	_ = 	snop  }
0x90: {  	s2 =	sld [smem:$0x3FD0];
	_ =	sdelay $0x2  }
0x91: {  	s4 =	simm.s32 $0xA;
	s5 =	simm.s32 $0x10;
	s15 =	sld [smem:$0x3FC5]  }
0x92: {  	[smem:s5], [sflag:s4] =	dma.local [hbm:s2], $0x1  }
0x93: {  	_ =	swait.eq [sflag:s4], $0x1  }
0x94: {  	[sflag:s4] =	ssyncset.done $0x0  }
0x95: {  	[sflag:s4] =	ssyncadd.s32 $0xFFFFFFFF  }
0x96: {  	s16 =	sld [smem:$0x11];
	(tm) =	ssettm $0x1  }
0x97: {  	s17 =	sld [smem:$0x3FFB];
	_ =	sdelay $0x3  }
0x98: {  	_ =	strace s17  }
0x99: {  	s4 =	sld [smem:$0x3FFC];
	_ =	sdelay $0x3  }
0x9a: {  	_ =	strace s4  }
0x9b: {  	s4 =	sld [smem:$0x3FFD];
	_ =	sdelay $0x3  }
0x9c: {  	_ =	strace s4  }
0x9d: {  	_ =	strace $0x8FFFFFFF  }
0x9e: {  	s18 =	sld [smem:$0x3FDB];
	_ =	sdelay $0x1  }
0x9f: {  	s19 =	simm.s32 $_scs_section_size  }
0xa0: {  	s6 =	simm.s32 $_size__tile_overlayer_lowered;
	s7 =	simm.s32 $_tile_overlayer_lowered  }
0xa1: {  	s22 =	simm.s32 $0x1BFF;
	s21 =	sshll.u32 s7, $0x1;
	s4 =	sadd.s32 s19, s18  }
0xa2: {  	s8 =	simm.s32 $0x0;
	s20 =	sshll.u32 s6, $0x1;
	s6 =	sadd.s32 s21, s4  }
0xa3: {  	[timem:s8], [sflag:s22] =	dma.local [hbm:s6], s20  }
0xa4: {  	_ =	swait.ge [sflag:s22], s20  }
0xa5: {  	s5 =	ssub.s32 $0x0, s20;
	[sflag:s22] =	ssyncset.done $0x0  }
0xa6: {  	[sflag:s22] =	ssyncadd.s32 s5;
	_ =	sdelay $0x1  }
0xa7: {  	s23 =	simm.s32 $0x1B8B  }
0xa8: {  	_ =	swait.ge [sflag:s23], $0x1  }
0xa9: {  	[sflag:s23] =	ssyncset.done $0x0  }
0xaa: {  	s25 =	simm.s32 $0x1B8E;
	s24 =	sld [smem:$0x3FFE];
	[sflag:s23] =	ssyncadd.s32 $0xFFFFFFFF  }
0xab: {  	s26 =	simm.s32 $execute0_lowered;
	[smem:$0x3FD2] =	sst s25  }
0xac: {  	s6 =	sshll.u32 s26, $0x1;
	_ =	strace $0x80000046;
	[dreg:$0x1] =	wrdreg $0xFFFFFFFF  }
0xad: {  	s28 =	simm.s32 $_size_execute0_lowered;
	s4 =	sadd.s32 s4, s6;
	[dreg:$0x0] =	wrdreg $0x0  }
0xae: {  	s6 =	sshll.u32 s28, $0x1;
	[dreg:$0x2] =	wrdreg s4  }
0xaf: {  	[dreg:$0x3] =	wrdreg s6  }
0xb0: {  	[dreg:$0x4] =	wrdreg $0xC0  }
0xb1: {  	_ =	task [dreg:s8], $0x5FFFF  }
0xb2: {  	[dreg:$0x1] =	wrdreg $0xFFFFFFFF  }
0xb3: {  	[dreg:$0x0] =	wrdreg $0x60  }
0xb4: {  	[dreg:$0x2] =	wrdreg s15  }
0xb5: {  	[dreg:$0x3] =	wrdreg s24  }
0xb6: {  	[dreg:$0x4] =	wrdreg s16  }
0xb7: {  	[dreg:$0x5] =	wrdreg $0xC8000  }
0xb8: {  	[dreg:$0x6] =	wrdreg $0x9  }
0xb9: {  	_ =	task.clear_ibuf [dreg:s8], $0x7FFFF;
	_ =	strace $0x90000046  }
0xba: {  	s29 =	simm.s32 $0x9;
	_ =	strace $0x80000048  }
0xbb: {  	_ =	swait.ge [sflag:s29], $0x1  }
0xbc: {  	[sflag:s29] =	ssyncadd.s32 $0xFFFFFFFF  }
0xbd: {  	_ =	strace $0x90000048  }
0xbe: {  	_ =	sfence  }
0xbf: {  	s30 =	sld [smem:$0x0];
	_ =	sdelay $0x2  }
0xc0: {  	s31 =	sshll.u32 s1, $0xD;
	s1 =	sshrl.u32 s1, $0x2  }
0xc1: {  	s3 =	sand.u32 $0x4000, s31;
	s1 =	sadd.s32 s1, s30  }
0xc2: {  	s0 =	sor.u32 s3, s0;
	s1 =	sshll.u32 s1, $0x11  }
0xc3: {  	s0 =	sor.u32 s1, s0  }
0xc4: {  	s0 =	sadd.s32 $0x8F2B, s0  }
0xc5: {  	[sflag:s0] =	ssyncadd.remote.s32 $0x1  }
0xc6: {  	_ =	sfence.sel $0xFFFF  }
0xc7: {  	[dreg:$0x0] =	wrdreg $0xFFFFFFFF;
	(pc) =	sbr.abs _section_cstart, $3  }
0xc8: {  	[dreg:$0x1] =	wrdreg $0xFFFFFFFF  }
0xc9: {  	_ =	task.clear_ibuf [dreg:s8], $0x2FFFF;
	_ =	strace $0x9FFFFFFF  }
0xca: {  	(tm) =	ssettm $0x7FFFFFFF  }
0xcb: {  	_ =	shalt  }
tec
execute0_lowered:
.L_overlay_start_1:
0x0: {  	(tag) =	ssettag $0x1  }
0x1: {  	s0 =	srdreg.scid;
	s9 =	stileid.u32  }
0x2: {  	s1 =	rddreg [dreg:$0x0];
	s0 =	sand.u32 $0x1, s0;
	s2 =	sshll.u32 s9, $0x1  }
0x3: {  	s4 =	rddreg [dreg:$0x1];
	s25 =	smul.u32 $0x30000, s9;
	s2 =	sor.u32 s0, s2  }
0x4: {  	s5 =	rddreg [dreg:$0x2];
	s3 =	smul.u32 $0x1C0, s2;
	s2 =	sshll.u32 s2, $0x8  }
0x5: {  	s7 =	rddreg [dreg:$0x3];
	s2 =	sadd.s32 s2, s4  }
0x6: {  	s4 =	sshrl.u32 s25, $0x2;
	s6 =	sshrl.u32 s3, $0x3;
	s3 =	simm.s32 $0x0  }
0x7: {  	s2 =	sadd.s32 $0xC00, s2;
	s4 =	sadd.s32 s4, s7;
	[smem:$0x7FF] =	sst s3  }
0x8: {  	s14 =	smul.u32 $0x300, s6;
	_ =	strace $0x80000047;
	[dreg:$0x5] =	wrdreg s2  }
0x9: {  	[dreg:$0x15] =	wrdreg s4;
	s4 =	sadd.s32 $0x6000, s4  }
0xa: {  	s10 =	sadd.s32 s5, s14;
	[dreg:$0x16] =	wrdreg s4  }
0xb: {  	s13 =	simm.s32 $0x3;
	s17 =	sadd.s32 $0x1800, s10;
	[dreg:$0x13] =	wrdreg s10  }
0xc: {  	s0 =	ssub.s32 $0x2, s0;
	s18 =	sadd.s32 $0x2400, s10;
	[dreg:$0x7] =	wrdreg s17  }
0xd: {  	s21 =	sshrl.u32 s0, $0x1;
	s19 =	sadd.s32 $0x3000, s10;
	[dreg:$0x8] =	wrdreg s18  }
0xe: {  	s0 =	ssub.s32 s0, s21;
	s20 =	sadd.s32 $0x3C00, s10;
	[dreg:$0x9] =	wrdreg s19  }
0xf: {  	s8 =	smul.u32 $0x1800, s6;
	s22 =	sadd.s32 $0x4800, s10;
	[dreg:$0xa] =	wrdreg s20  }
0x10: {  	s0 =	smax.u32 s0, $0x1;
	s23 =	sadd.s32 $0x5400, s10;
	[dreg:$0xb] =	wrdreg s22  }
0x11: {  	s15 =	sshrl.u32 s8, $0x3;
	s24 =	sadd.s32 $0x6000, s10;
	[dreg:$0xc] =	wrdreg s23  }
0x12: {  	s14 =	simm.s32 $0x2;
	s26 =	sadd.s32 $0x6C00, s10;
	[dreg:$0xd] =	wrdreg s24  }
0x13: {  	s6 =	sadd.s32 s5, s15;
	s28 =	sadd.s32 $0x7800, s10;
	[dreg:$0xe] =	wrdreg s26  }
0x14: {  	s5 =	sadd.s32 $0x100, s1;
	s29 =	sadd.s32 $0x8400, s10;
	[dreg:$0xf] =	wrdreg s28  }
0x15: {  	s30 =	sadd.s32 $0x9000, s10;
	s31 =	sadd.s32 $0x9C00, s10;
	[dreg:$0x10] =	wrdreg s29  }
0x16: {  	v2 =	vlaneseq.u32;
	s15 =	simm.s32 $0x4;
	s16 =	sadd.s32 $0xC00, s6;
	[dreg:$0x11] =	wrdreg s30  }
0x17: {  	vm0 =	vmmov $0xffff;
	v1 =	vshrl.u32 v2, $0x3;
	s6 =	sadd.s32 $0x200, s1;
	[dreg:$0x12] =	wrdreg s31;
	s23 =	simm.s32 $0x1  }
0x18: {  	v0 =	vand.u32 $0x7, v2;
	v2 =	vor.u32 $0x8, v2;
	v1 =	vmul.u32 $0x8, v1;
	s17 =	simm.s32 $0x6;
	[dreg:$0x6] =	wrdreg s16;
	s16 =	simm.s32 $0x5  }
.LBB2_1:
0x19: {  	[dreg:$0x14] =	wrdreg s0  }
0x1a: {  	s18 =	rddreg [dreg:$0x5];
	s10 =	simm.s32 $0x7  }
0x1b: {  	[tilespmem:s3], [sflag:$0x7] =	stream.linear.gather [hbm4b:s18+s3], $0x700, $0x38;
	[tilespmem:$0x18800] =	vst v63  }
0x1c: {  	_ =	swait.ge [sflag:s10], $0x700  }
0x1d: {  	[sflag:s10] =	ssyncset.done $0x0  }
0x1e: {  	[sflag:s10] =	ssyncadd.s32 $0xFFFFF900  }
0x1f: {  	v3 =	vld [tilespmem:$0x0];
	_ =	sdelay $0x4  }
0x20: {  	v4 =	vshrl.u32 v3, $0x3  }
0x21: {  	v4 =	vmul.u32 $0x30, v4  }
0x22: {  	v3 =	vand.u32 $0x7, v3  }
0x23: {  	v3 =	vor.u32 v3, v4  }
0x24: {  	v4 =	vperm.xlane v3, v0;
	_ =	sdelay $0x1  }
0x25: {  	v4 =	vadd.s32 v1, v4;
	_ =	sdelay $0x3  }
0x26: {  	s11 =	simm.s32 $0x800;
	v3 =	vperm.xlane v3, v2  }
0x27: {  	[tilespmem:s11], [sflag:$0x1] =	stream.indirect_vreg.gather [hbm4b:s1+s3], $0x80, v4, vm0, $0xb8;
	[tilespmem:$0x18800] =	vst v63  }
0x28: {  	s12 =	simm.s32 $0x1000;
	v3 =	vadd.s32 v1, v3  }
0x29: {  	[tilespmem:s12], [sflag:$0x1] =	stream.indirect_vreg.gather [hbm4b:s5+s3], $0x80, v4, vm0, $0xb8;
	[tilespmem:$0x18800] =	vst v63  }
0x2a: {  	s18 =	simm.s32 $0x1800  }
0x2b: {  	[tilespmem:s18], [sflag:$0x1] =	stream.indirect_vreg.gather [hbm4b:s6+s3], $0x80, v4, vm0, $0xb8;
	[tilespmem:$0x18800] =	vst v63  }
0x2c: {  	s19 =	simm.s32 $0x2000  }
0x2d: {  	[tilespmem:s19], [sflag:$0x1] =	stream.indirect_vreg.gather [hbm4b:s1+s3], $0x80, v3, vm0, $0xb8;
	[tilespmem:$0x18800] =	vst v63  }
0x2e: {  	s20 =	simm.s32 $0x2800  }
0x2f: {  	[tilespmem:s20], [sflag:$0x1] =	stream.indirect_vreg.gather [hbm4b:s5+s3], $0x80, v3, vm0, $0xb8;
	[tilespmem:$0x18800] =	vst v63  }
0x30: {  	s21 =	simm.s32 $0x3000  }
0x31: {  	[tilespmem:s21], [sflag:$0x1] =	stream.indirect_vreg.gather [hbm4b:s6+s3], $0x80, v3, vm0, $0xb8;
	[tilespmem:$0x18800] =	vst v63  }
0x32: {  	v3 =	vld [tilespmem:$0x10];
	_ =	sdelay $0x4  }
0x33: {  	v37 =	vshrl.u32 v3, $0x3  }
0x34: {  	v4 =	vmul.u32 $0x30, v37  }
0x35: {  	v3 =	vand.u32 $0x7, v3  }
0x36: {  	v3 =	vor.u32 v3, v4  }
0x37: {  	v4 =	vperm.xlane v3, v0;
	_ =	sdelay $0x1  }
0x38: {  	v4 =	vadd.s32 v1, v4;
	_ =	sdelay $0x3  }
0x39: {  	s24 =	simm.s32 $0x3800;
	v3 =	vperm.xlane v3, v2  }
0x3a: {  	[tilespmem:s24], [sflag:$0x1] =	stream.indirect_vreg.gather [hbm4b:s1+s3], $0x80, v4, vm0, $0xb8;
	[tilespmem:$0x18800] =	vst v63  }
0x3b: {  	s25 =	simm.s32 $0x4000;
	v3 =	vadd.s32 v1, v3  }
0x3c: {  	[tilespmem:s25], [sflag:$0x1] =	stream.indirect_vreg.gather [hbm4b:s5+s3], $0x80, v4, vm0, $0xb8;
	[tilespmem:$0x18800] =	vst v63  }
0x3d: {  	s26 =	simm.s32 $0x4800  }
0x3e: {  	[tilespmem:s26], [sflag:$0x1] =	stream.indirect_vreg.gather [hbm4b:s6+s3], $0x80, v4, vm0, $0xb8;
	[tilespmem:$0x18800] =	vst v63  }
0x3f: {  	s28 =	simm.s32 $0x5000  }
0x40: {  	[tilespmem:s28], [sflag:$0x1] =	stream.indirect_vreg.gather [hbm4b:s1+s3], $0x80, v3, vm0, $0xb8;
	[tilespmem:$0x18800] =	vst v63  }
0x41: {  	s29 =	simm.s32 $0x5800  }
0x42: {  	[tilespmem:s29], [sflag:$0x1] =	stream.indirect_vreg.gather [hbm4b:s5+s3], $0x80, v3, vm0, $0xb8;
	[tilespmem:$0x18800] =	vst v63  }
0x43: {  	s30 =	simm.s32 $0x6000  }
0x44: {  	[tilespmem:s30], [sflag:$0x1] =	stream.indirect_vreg.gather [hbm4b:s6+s3], $0x80, v3, vm0, $0xb8;
	[tilespmem:$0x18800] =	vst v63  }
0x45: {  	_ =	swait.ge [sflag:s23], $0x6000  }
0x46: {  	[sflag:s23] =	ssyncset.done $0x0  }
0x47: {  	s2 =	simm.s32 $0x800;
	s8 =	rddreg [dreg:$0x15];
	[sflag:s23] =	ssyncadd.s32 $0xFFFFA000  }
0x48: {  	[spmem:s8] =	stream.linear.scatter [tilespmem:s2], [sflag:$0x3], $0x6000, $0x38;
	[tilespmem:$0x18800] =	vst v63  }
0x49: {  	v3 =	vld [tilespmem:$0x80];
	_ =	sdelay $0x4  }
0x4a: {  	v38 =	vshrl.u32 v3, $0x3  }
0x4b: {  	v4 =	vmul.u32 $0x30, v38  }
0x4c: {  	v3 =	vand.u32 $0x7, v3  }
0x4d: {  	v3 =	vor.u32 v3, v4  }
0x4e: {  	v4 =	vperm.xlane v3, v0;
	_ =	sdelay $0x1  }
0x4f: {  	v4 =	vadd.s32 v1, v4;
	_ =	sdelay $0x3  }
0x50: {  	s31 =	simm.s32 $0x6800;
	v3 =	vperm.xlane v3, v2  }
0x51: {  	[tilespmem:s31], [sflag:$0x2] =	stream.indirect_vreg.gather [hbm4b:s1+s3], $0x80, v4, vm0, $0xb8;
	[tilespmem:$0x18800] =	vst v63  }
0x52: {  	s2 =	simm.s32 $0x7000;
	v3 =	vadd.s32 v1, v3  }
0x53: {  	[tilespmem:s2], [sflag:$0x2] =	stream.indirect_vreg.gather [hbm4b:s5+s3], $0x80, v4, vm0, $0xb8;
	[tilespmem:$0x18800] =	vst v63  }
0x54: {  	s19 =	simm.s32 $0x7800  }
0x55: {  	[tilespmem:s19], [sflag:$0x2] =	stream.indirect_vreg.gather [hbm4b:s6+s3], $0x80, v4, vm0, $0xb8;
	[tilespmem:$0x18800] =	vst v63  }
0x56: {  	s20 =	simm.s32 $0x8000  }
0x57: {  	[tilespmem:s20], [sflag:$0x2] =	stream.indirect_vreg.gather [hbm4b:s1+s3], $0x80, v3, vm0, $0xb8;
	[tilespmem:$0x18800] =	vst v63  }
0x58: {  	s21 =	simm.s32 $0x8800  }
0x59: {  	[tilespmem:s21], [sflag:$0x2] =	stream.indirect_vreg.gather [hbm4b:s5+s3], $0x80, v3, vm0, $0xb8;
	[tilespmem:$0x18800] =	vst v63  }
0x5a: {  	s24 =	simm.s32 $0x9000  }
0x5b: {  	[tilespmem:s24], [sflag:$0x2] =	stream.indirect_vreg.gather [hbm4b:s6+s3], $0x80, v3, vm0, $0xb8;
	[tilespmem:$0x18800] =	vst v63  }
0x5c: {  	v3 =	vld [tilespmem:$0x90];
	_ =	sdelay $0x4  }
0x5d: {  	v39 =	vshrl.u32 v3, $0x3  }
0x5e: {  	v4 =	vmul.u32 $0x30, v39  }
0x5f: {  	v3 =	vand.u32 $0x7, v3  }
0x60: {  	v3 =	vor.u32 v3, v4  }
0x61: {  	v4 =	vperm.xlane v3, v0;
	_ =	sdelay $0x1  }
0x62: {  	v4 =	vadd.s32 v1, v4;
	_ =	sdelay $0x3  }
0x63: {  	s29 =	simm.s32 $0x9800;
	v3 =	vperm.xlane v3, v2  }
0x64: {  	[tilespmem:s29], [sflag:$0x2] =	stream.indirect_vreg.gather [hbm4b:s1+s3], $0x80, v4, vm0, $0xb8;
	[tilespmem:$0x18800] =	vst v63  }
0x65: {  	s30 =	simm.s32 $0xA000;
	v3 =	vadd.s32 v1, v3  }
0x66: {  	[tilespmem:s30], [sflag:$0x2] =	stream.indirect_vreg.gather [hbm4b:s5+s3], $0x80, v4, vm0, $0xb8;
	[tilespmem:$0x18800] =	vst v63  }
0x67: {  	s2 =	simm.s32 $0xA800  }
0x68: {  	[tilespmem:s2], [sflag:$0x2] =	stream.indirect_vreg.gather [hbm4b:s6+s3], $0x80, v4, vm0, $0xb8;
	[tilespmem:$0x18800] =	vst v63  }
0x69: {  	s19 =	simm.s32 $0xB000  }
0x6a: {  	[tilespmem:s19], [sflag:$0x2] =	stream.indirect_vreg.gather [hbm4b:s1+s3], $0x80, v3, vm0, $0xb8;
	[tilespmem:$0x18800] =	vst v63  }
0x6b: {  	s20 =	simm.s32 $0xB800  }
0x6c: {  	[tilespmem:s20], [sflag:$0x2] =	stream.indirect_vreg.gather [hbm4b:s5+s3], $0x80, v3, vm0, $0xb8;
	[tilespmem:$0x18800] =	vst v63  }
0x6d: {  	s21 =	simm.s32 $0xC000  }
0x6e: {  	[tilespmem:s21], [sflag:$0x2] =	stream.indirect_vreg.gather [hbm4b:s6+s3], $0x80, v3, vm0, $0xb8;
	[tilespmem:$0x18800] =	vst v63  }
0x6f: {  	s29 =	stileid.u32;
	_ =	swait.ge [sflag:s13], $0x6000  }
0x70: {  	s19 =	sshrl.u32 s8, $0x3;
	s20 =	sshll.u32 s29, $0x6;
	[sflag:s13] =	ssyncset.done $0x0  }
0x71: {  	s18 =	sor.u32 $0x1C05, s20;
	s21 =	rddreg [dreg:$0x13];
	[sflag:s13] =	ssyncadd.s32 $0xFFFFA000  }
0x72: {  	[hbm:s21], [sflag:s18] =	dma.local [spmem:s19], $0xC00  }
0x73: {  	_ =	swait.ge [sflag:s14], $0x6000  }
0x74: {  	[sflag:s14] =	ssyncset.done $0x0  }
0x75: {  	s11 =	simm.s32 $0x6800;
	s2 =	rddreg [dreg:$0x16];
	[sflag:s14] =	ssyncadd.s32 $0xFFFFA000  }
0x76: {  	[spmem:s2] =	stream.linear.scatter [tilespmem:s11], [sflag:$0x4], $0x6000, $0x38;
	[tilespmem:$0x18800] =	vst v63  }
0x77: {  	v3 =	vld [tilespmem:$0x100];
	_ =	sdelay $0x4  }
0x78: {  	v40 =	vshrl.u32 v3, $0x3  }
0x79: {  	v4 =	vmul.u32 $0x30, v40  }
0x7a: {  	v3 =	vand.u32 $0x7, v3  }
0x7b: {  	v3 =	vor.u32 v3, v4  }
0x7c: {  	v4 =	vperm.xlane v3, v0;
	_ =	sdelay $0x1  }
0x7d: {  	v4 =	vadd.s32 v1, v4;
	_ =	sdelay $0x3  }
0x7e: {  	s30 =	simm.s32 $0x800;
	v3 =	vperm.xlane v3, v2  }
0x7f: {  	[tilespmem:s30], [sflag:$0x1] =	stream.indirect_vreg.gather [hbm4b:s1+s3], $0x80, v4, vm0, $0xb8;
	[tilespmem:$0x18800] =	vst v63  }
0x80: {  	s12 =	simm.s32 $0x1000;
	v3 =	vadd.s32 v1, v3  }
0x81: {  	[tilespmem:s12], [sflag:$0x1] =	stream.indirect_vreg.gather [hbm4b:s5+s3], $0x80, v4, vm0, $0xb8;
	[tilespmem:$0x18800] =	vst v63  }
0x82: {  	s4 =	simm.s32 $0x1800  }
0x83: {  	[tilespmem:s4], [sflag:$0x1] =	stream.indirect_vreg.gather [hbm4b:s6+s3], $0x80, v4, vm0, $0xb8;
	[tilespmem:$0x18800] =	vst v63  }
0x84: {  	s9 =	simm.s32 $0x2000  }
0x85: {  	[tilespmem:s9], [sflag:$0x1] =	stream.indirect_vreg.gather [hbm4b:s1+s3], $0x80, v3, vm0, $0xb8;
	[tilespmem:$0x18800] =	vst v63  }
0x86: {  	s22 =	simm.s32 $0x2800  }
0x87: {  	[tilespmem:s22], [sflag:$0x1] =	stream.indirect_vreg.gather [hbm4b:s5+s3], $0x80, v3, vm0, $0xb8;
	[tilespmem:$0x18800] =	vst v63  }
0x88: {  	s7 =	simm.s32 $0x3000  }
0x89: {  	[tilespmem:s7], [sflag:$0x1] =	stream.indirect_vreg.gather [hbm4b:s6+s3], $0x80, v3, vm0, $0xb8;
	[tilespmem:$0x18800] =	vst v63  }
0x8a: {  	v3 =	vld [tilespmem:$0x110];
	_ =	sdelay $0x4  }
0x8b: {  	v41 =	vshrl.u32 v3, $0x3  }
0x8c: {  	v4 =	vmul.u32 $0x30, v41  }
0x8d: {  	v3 =	vand.u32 $0x7, v3  }
0x8e: {  	v3 =	vor.u32 v3, v4  }
0x8f: {  	v4 =	vperm.xlane v3, v0;
	_ =	sdelay $0x1  }
0x90: {  	v4 =	vadd.s32 v1, v4;
	_ =	sdelay $0x3  }
0x91: {  	s22 =	simm.s32 $0x3800;
	v3 =	vperm.xlane v3, v2  }
0x92: {  	[tilespmem:s22], [sflag:$0x1] =	stream.indirect_vreg.gather [hbm4b:s1+s3], $0x80, v4, vm0, $0xb8;
	[tilespmem:$0x18800] =	vst v63  }
0x93: {  	s25 =	simm.s32 $0x4000;
	v3 =	vadd.s32 v1, v3  }
0x94: {  	[tilespmem:s25], [sflag:$0x1] =	stream.indirect_vreg.gather [hbm4b:s5+s3], $0x80, v4, vm0, $0xb8;
	[tilespmem:$0x18800] =	vst v63  }
0x95: {  	s26 =	simm.s32 $0x4800  }
0x96: {  	[tilespmem:s26], [sflag:$0x1] =	stream.indirect_vreg.gather [hbm4b:s6+s3], $0x80, v4, vm0, $0xb8;
	[tilespmem:$0x18800] =	vst v63  }
0x97: {  	s28 =	simm.s32 $0x5000  }
0x98: {  	[tilespmem:s28], [sflag:$0x1] =	stream.indirect_vreg.gather [hbm4b:s1+s3], $0x80, v3, vm0, $0xb8;
	[tilespmem:$0x18800] =	vst v63  }
0x99: {  	s10 =	simm.s32 $0x5800  }
0x9a: {  	[tilespmem:s10], [sflag:$0x1] =	stream.indirect_vreg.gather [hbm4b:s5+s3], $0x80, v3, vm0, $0xb8;
	[tilespmem:$0x18800] =	vst v63  }
0x9b: {  	s0 =	simm.s32 $0x6000  }
0x9c: {  	[tilespmem:s0], [sflag:$0x1] =	stream.indirect_vreg.gather [hbm4b:s6+s3], $0x80, v3, vm0, $0xb8;
	[tilespmem:$0x18800] =	vst v63  }
0x9d: {  	_ =	swait.ge [sflag:s15], $0x6000  }
0x9e: {  	s20 =	sor.u32 $0x1C06, s20;
	[sflag:s15] =	ssyncset.done $0x0  }
0x9f: {  	s21 =	sshrl.u32 s2, $0x3;
	s28 =	rddreg [dreg:$0x6];
	[sflag:s15] =	ssyncadd.s32 $0xFFFFA000  }
0xa0: {  	[hbm:s28], [sflag:s20] =	dma.local [spmem:s21], $0xC00  }
0xa1: {  	_ =	swait.ge [sflag:s23], $0x6000  }
0xa2: {  	[sflag:s23] =	ssyncset.done $0x0  }
0xa3: {  	[sflag:s23] =	ssyncadd.s32 $0xFFFFA000  }
0xa4: {  	_ =	swait.ge [sflag:s16], $0xC00  }
0xa5: {  	[sflag:s16] =	ssyncset.done $0x0  }
0xa6: {  	[sflag:s16] =	ssyncadd.s32 $0xFFFFF400  }
0xa7: {  	[spmem:s8] =	stream.linear.scatter [tilespmem:s30], [sflag:$0x3], $0x6000, $0x38;
	[tilespmem:$0x18800] =	vst v63  }
0xa8: {  	v3 =	vld [tilespmem:$0x180];
	_ =	sdelay $0x4  }
0xa9: {  	v42 =	vshrl.u32 v3, $0x3  }
0xaa: {  	v4 =	vmul.u32 $0x30, v42  }
0xab: {  	v3 =	vand.u32 $0x7, v3  }
0xac: {  	v3 =	vor.u32 v3, v4  }
0xad: {  	v4 =	vperm.xlane v3, v0;
	_ =	sdelay $0x1  }
0xae: {  	v4 =	vadd.s32 v1, v4;
	_ =	sdelay $0x3  }
0xaf: {  	s30 =	simm.s32 $0x6800;
	v3 =	vperm.xlane v3, v2  }
0xb0: {  	[tilespmem:s30], [sflag:$0x2] =	stream.indirect_vreg.gather [hbm4b:s1+s3], $0x80, v4, vm0, $0xb8;
	[tilespmem:$0x18800] =	vst v63  }
0xb1: {  	s22 =	simm.s32 $0x7000;
	v3 =	vadd.s32 v1, v3  }
0xb2: {  	[tilespmem:s22], [sflag:$0x2] =	stream.indirect_vreg.gather [hbm4b:s5+s3], $0x80, v4, vm0, $0xb8;
	[tilespmem:$0x18800] =	vst v63  }
0xb3: {  	s7 =	simm.s32 $0x7800  }
0xb4: {  	[tilespmem:s7], [sflag:$0x2] =	stream.indirect_vreg.gather [hbm4b:s6+s3], $0x80, v4, vm0, $0xb8;
	[tilespmem:$0x18800] =	vst v63  }
0xb5: {  	s4 =	simm.s32 $0x8000  }
0xb6: {  	[tilespmem:s4], [sflag:$0x2] =	stream.indirect_vreg.gather [hbm4b:s1+s3], $0x80, v3, vm0, $0xb8;
	[tilespmem:$0x18800] =	vst v63  }
0xb7: {  	s9 =	simm.s32 $0x8800  }
0xb8: {  	[tilespmem:s9], [sflag:$0x2] =	stream.indirect_vreg.gather [hbm4b:s5+s3], $0x80, v3, vm0, $0xb8;
	[tilespmem:$0x18800] =	vst v63  }
0xb9: {  	s24 =	simm.s32 $0x9000  }
0xba: {  	[tilespmem:s24], [sflag:$0x2] =	stream.indirect_vreg.gather [hbm4b:s6+s3], $0x80, v3, vm0, $0xb8;
	[tilespmem:$0x18800] =	vst v63  }
0xbb: {  	v3 =	vld [tilespmem:$0x190];
	_ =	sdelay $0x4  }
0xbc: {  	v43 =	vshrl.u32 v3, $0x3  }
0xbd: {  	v4 =	vmul.u32 $0x30, v43  }
0xbe: {  	v3 =	vand.u32 $0x7, v3  }
0xbf: {  	v3 =	vor.u32 v3, v4  }
0xc0: {  	v4 =	vperm.xlane v3, v0;
	_ =	sdelay $0x1  }
0xc1: {  	v4 =	vadd.s32 v1, v4;
	_ =	sdelay $0x3  }
0xc2: {  	s31 =	simm.s32 $0x9800;
	v3 =	vperm.xlane v3, v2  }
0xc3: {  	[tilespmem:s31], [sflag:$0x2] =	stream.indirect_vreg.gather [hbm4b:s1+s3], $0x80, v4, vm0, $0xb8;
	[tilespmem:$0x18800] =	vst v63  }
0xc4: {  	s10 =	simm.s32 $0xA000;
	v3 =	vadd.s32 v1, v3  }
0xc5: {  	[tilespmem:s10], [sflag:$0x2] =	stream.indirect_vreg.gather [hbm4b:s5+s3], $0x80, v4, vm0, $0xb8;
	[tilespmem:$0x18800] =	vst v63  }
0xc6: {  	s12 =	simm.s32 $0xA800  }
0xc7: {  	[tilespmem:s12], [sflag:$0x2] =	stream.indirect_vreg.gather [hbm4b:s6+s3], $0x80, v4, vm0, $0xb8;
	[tilespmem:$0x18800] =	vst v63  }
0xc8: {  	s25 =	simm.s32 $0xB000  }
0xc9: {  	[tilespmem:s25], [sflag:$0x2] =	stream.indirect_vreg.gather [hbm4b:s1+s3], $0x80, v3, vm0, $0xb8;
	[tilespmem:$0x18800] =	vst v63  }
0xca: {  	s26 =	simm.s32 $0xB800  }
0xcb: {  	[tilespmem:s26], [sflag:$0x2] =	stream.indirect_vreg.gather [hbm4b:s5+s3], $0x80, v3, vm0, $0xb8;
	[tilespmem:$0x18800] =	vst v63  }
0xcc: {  	s28 =	simm.s32 $0xC000  }
0xcd: {  	[tilespmem:s28], [sflag:$0x2] =	stream.indirect_vreg.gather [hbm4b:s6+s3], $0x80, v3, vm0, $0xb8;
	[tilespmem:$0x18800] =	vst v63  }
0xce: {  	_ =	swait.ge [sflag:s13], $0x6000  }
0xcf: {  	[sflag:s13] =	ssyncset.done $0x0  }
0xd0: {  	s24 =	rddreg [dreg:$0x7];
	[sflag:s13] =	ssyncadd.s32 $0xFFFFA000  }
0xd1: {  	[hbm:s24], [sflag:s18] =	dma.local [spmem:s19], $0xC00  }
0xd2: {  	_ =	swait.ge [sflag:s14], $0x6000  }
0xd3: {  	[sflag:s14] =	ssyncset.done $0x0  }
0xd4: {  	[sflag:s14] =	ssyncadd.s32 $0xFFFFA000  }
0xd5: {  	_ =	swait.ge [sflag:s17], $0xC00  }
0xd6: {  	[sflag:s17] =	ssyncset.done $0x0  }
0xd7: {  	[sflag:s17] =	ssyncadd.s32 $0xFFFFF400  }
0xd8: {  	[spmem:s2] =	stream.linear.scatter [tilespmem:s30], [sflag:$0x4], $0x6000, $0x38;
	[tilespmem:$0x18800] =	vst v63  }
0xd9: {  	v3 =	vld [tilespmem:$0x200];
	_ =	sdelay $0x4  }
0xda: {  	v44 =	vshrl.u32 v3, $0x3  }
0xdb: {  	v4 =	vmul.u32 $0x30, v44  }
0xdc: {  	v3 =	vand.u32 $0x7, v3  }
0xdd: {  	v3 =	vor.u32 v3, v4  }
0xde: {  	v4 =	vperm.xlane v3, v0;
	_ =	sdelay $0x1  }
0xdf: {  	v4 =	vadd.s32 v1, v4;
	_ =	sdelay $0x3  }
0xe0: {  	s0 =	simm.s32 $0x800;
	v3 =	vperm.xlane v3, v2  }
0xe1: {  	[tilespmem:s0], [sflag:$0x1] =	stream.indirect_vreg.gather [hbm4b:s1+s3], $0x80, v4, vm0, $0xb8;
	[tilespmem:$0x18800] =	vst v63  }
0xe2: {  	s31 =	simm.s32 $0x1000;
	v3 =	vadd.s32 v1, v3  }
0xe3: {  	[tilespmem:s31], [sflag:$0x1] =	stream.indirect_vreg.gather [hbm4b:s5+s3], $0x80, v4, vm0, $0xb8;
	[tilespmem:$0x18800] =	vst v63  }
0xe4: {  	s30 =	simm.s32 $0x1800  }
0xe5: {  	[tilespmem:s30], [sflag:$0x1] =	stream.indirect_vreg.gather [hbm4b:s6+s3], $0x80, v4, vm0, $0xb8;
	[tilespmem:$0x18800] =	vst v63  }
0xe6: {  	s11 =	simm.s32 $0x2000  }
0xe7: {  	[tilespmem:s11], [sflag:$0x1] =	stream.indirect_vreg.gather [hbm4b:s1+s3], $0x80, v3, vm0, $0xb8;
	[tilespmem:$0x18800] =	vst v63  }
0xe8: {  	s24 =	simm.s32 $0x2800  }
0xe9: {  	[tilespmem:s24], [sflag:$0x1] =	stream.indirect_vreg.gather [hbm4b:s5+s3], $0x80, v3, vm0, $0xb8;
	[tilespmem:$0x18800] =	vst v63  }
0xea: {  	s29 =	simm.s32 $0x3000  }
0xeb: {  	[tilespmem:s29], [sflag:$0x1] =	stream.indirect_vreg.gather [hbm4b:s6+s3], $0x80, v3, vm0, $0xb8;
	[tilespmem:$0x18800] =	vst v63  }
0xec: {  	v3 =	vld [tilespmem:$0x210];
	_ =	sdelay $0x4  }
0xed: {  	v45 =	vshrl.u32 v3, $0x3  }
0xee: {  	v4 =	vmul.u32 $0x30, v45  }
0xef: {  	v3 =	vand.u32 $0x7, v3  }
0xf0: {  	v3 =	vor.u32 v3, v4  }
0xf1: {  	v4 =	vperm.xlane v3, v0;
	_ =	sdelay $0x1  }
0xf2: {  	v4 =	vadd.s32 v1, v4;
	_ =	sdelay $0x3  }
0xf3: {  	s29 =	simm.s32 $0x3800;
	v3 =	vperm.xlane v3, v2  }
0xf4: {  	[tilespmem:s29], [sflag:$0x1] =	stream.indirect_vreg.gather [hbm4b:s1+s3], $0x80, v4, vm0, $0xb8;
	[tilespmem:$0x18800] =	vst v63  }
0xf5: {  	v3 =	vadd.s32 v1, v3;
	s29 =	simm.s32 $0x4000  }
0xf6: {  	[tilespmem:s29], [sflag:$0x1] =	stream.indirect_vreg.gather [hbm4b:s5+s3], $0x80, v4, vm0, $0xb8;
	[tilespmem:$0x18800] =	vst v63  }
0xf7: {  	s22 =	simm.s32 $0x4800  }
0xf8: {  	[tilespmem:s22], [sflag:$0x1] =	stream.indirect_vreg.gather [hbm4b:s6+s3], $0x80, v4, vm0, $0xb8;
	[tilespmem:$0x18800] =	vst v63  }
0xf9: {  	s22 =	simm.s32 $0x5000  }
0xfa: {  	[tilespmem:s22], [sflag:$0x1] =	stream.indirect_vreg.gather [hbm4b:s1+s3], $0x80, v3, vm0, $0xb8;
	[tilespmem:$0x18800] =	vst v63  }
0xfb: {  	s22 =	simm.s32 $0x5800  }
0xfc: {  	[tilespmem:s22], [sflag:$0x1] =	stream.indirect_vreg.gather [hbm4b:s5+s3], $0x80, v3, vm0, $0xb8;
	[tilespmem:$0x18800] =	vst v63  }
0xfd: {  	s22 =	simm.s32 $0x6000  }
0xfe: {  	[tilespmem:s22], [sflag:$0x1] =	stream.indirect_vreg.gather [hbm4b:s6+s3], $0x80, v3, vm0, $0xb8;
	[tilespmem:$0x18800] =	vst v63  }
0xff: {  	_ =	swait.ge [sflag:s15], $0x6000  }
0x100: {  	[sflag:s15] =	ssyncset.done $0x0  }
0x101: {  	s22 =	rddreg [dreg:$0x8];
	[sflag:s15] =	ssyncadd.s32 $0xFFFFA000  }
0x102: {  	[hbm:s22], [sflag:s20] =	dma.local [spmem:s21], $0xC00  }
0x103: {  	_ =	swait.ge [sflag:s23], $0x6000  }
0x104: {  	[sflag:s23] =	ssyncset.done $0x0  }
0x105: {  	[sflag:s23] =	ssyncadd.s32 $0xFFFFA000  }
0x106: {  	_ =	swait.ge [sflag:s16], $0xC00  }
0x107: {  	[sflag:s16] =	ssyncset.done $0x0  }
0x108: {  	s0 =	simm.s32 $0x800;
	[sflag:s16] =	ssyncadd.s32 $0xFFFFF400  }
0x109: {  	[spmem:s8] =	stream.linear.scatter [tilespmem:s0], [sflag:$0x3], $0x6000, $0x38;
	[tilespmem:$0x18800] =	vst v63  }
0x10a: {  	v3 =	vld [tilespmem:$0x280];
	_ =	sdelay $0x4  }
0x10b: {  	v46 =	vshrl.u32 v3, $0x3  }
0x10c: {  	v4 =	vmul.u32 $0x30, v46  }
0x10d: {  	v3 =	vand.u32 $0x7, v3  }
0x10e: {  	v3 =	vor.u32 v3, v4  }
0x10f: {  	v4 =	vperm.xlane v3, v0;
	_ =	sdelay $0x1  }
0x110: {  	v4 =	vadd.s32 v1, v4;
	_ =	sdelay $0x3  }
0x111: {  	s0 =	simm.s32 $0x6800;
	v3 =	vperm.xlane v3, v2  }
0x112: {  	[tilespmem:s0], [sflag:$0x2] =	stream.indirect_vreg.gather [hbm4b:s1+s3], $0x80, v4, vm0, $0xb8;
	[tilespmem:$0x18800] =	vst v63  }
0x113: {  	s22 =	simm.s32 $0x7000;
	v3 =	vadd.s32 v1, v3  }
0x114: {  	[tilespmem:s22], [sflag:$0x2] =	stream.indirect_vreg.gather [hbm4b:s5+s3], $0x80, v4, vm0, $0xb8;
	[tilespmem:$0x18800] =	vst v63  }
0x115: {  	_ = 	snop  }
0x116: {  	[tilespmem:s7], [sflag:$0x2] =	stream.indirect_vreg.gather [hbm4b:s6+s3], $0x80, v4, vm0, $0xb8;
	[tilespmem:$0x18800] =	vst v63  }
0x117: {  	_ = 	snop  }
0x118: {  	[tilespmem:s4], [sflag:$0x2] =	stream.indirect_vreg.gather [hbm4b:s1+s3], $0x80, v3, vm0, $0xb8;
	[tilespmem:$0x18800] =	vst v63  }
0x119: {  	_ = 	snop  }
0x11a: {  	[tilespmem:s9], [sflag:$0x2] =	stream.indirect_vreg.gather [hbm4b:s5+s3], $0x80, v3, vm0, $0xb8;
	[tilespmem:$0x18800] =	vst v63  }
0x11b: {  	s9 =	simm.s32 $0x9000  }
0x11c: {  	[tilespmem:s9], [sflag:$0x2] =	stream.indirect_vreg.gather [hbm4b:s6+s3], $0x80, v3, vm0, $0xb8;
	[tilespmem:$0x18800] =	vst v63  }
0x11d: {  	v3 =	vld [tilespmem:$0x290];
	_ =	sdelay $0x4  }
0x11e: {  	v47 =	vshrl.u32 v3, $0x3  }
0x11f: {  	v4 =	vmul.u32 $0x30, v47  }
0x120: {  	v3 =	vand.u32 $0x7, v3  }
0x121: {  	v3 =	vor.u32 v3, v4  }
0x122: {  	v4 =	vperm.xlane v3, v0;
	_ =	sdelay $0x1  }
0x123: {  	v4 =	vadd.s32 v1, v4;
	_ =	sdelay $0x3  }
0x124: {  	s7 =	simm.s32 $0x9800;
	v3 =	vperm.xlane v3, v2  }
0x125: {  	[tilespmem:s7], [sflag:$0x2] =	stream.indirect_vreg.gather [hbm4b:s1+s3], $0x80, v4, vm0, $0xb8;
	[tilespmem:$0x18800] =	vst v63  }
0x126: {  	v3 =	vadd.s32 v1, v3  }
0x127: {  	[tilespmem:s10], [sflag:$0x2] =	stream.indirect_vreg.gather [hbm4b:s5+s3], $0x80, v4, vm0, $0xb8;
	[tilespmem:$0x18800] =	vst v63  }
0x128: {  	_ = 	snop  }
0x129: {  	[tilespmem:s12], [sflag:$0x2] =	stream.indirect_vreg.gather [hbm4b:s6+s3], $0x80, v4, vm0, $0xb8;
	[tilespmem:$0x18800] =	vst v63  }
0x12a: {  	_ = 	snop  }
0x12b: {  	[tilespmem:s25], [sflag:$0x2] =	stream.indirect_vreg.gather [hbm4b:s1+s3], $0x80, v3, vm0, $0xb8;
	[tilespmem:$0x18800] =	vst v63  }
0x12c: {  	_ = 	snop  }
0x12d: {  	[tilespmem:s26], [sflag:$0x2] =	stream.indirect_vreg.gather [hbm4b:s5+s3], $0x80, v3, vm0, $0xb8;
	[tilespmem:$0x18800] =	vst v63  }
0x12e: {  	_ = 	snop  }
0x12f: {  	[tilespmem:s28], [sflag:$0x2] =	stream.indirect_vreg.gather [hbm4b:s6+s3], $0x80, v3, vm0, $0xb8;
	[tilespmem:$0x18800] =	vst v63  }
0x130: {  	_ =	swait.ge [sflag:s13], $0x6000  }
0x131: {  	[sflag:s13] =	ssyncset.done $0x0  }
0x132: {  	s10 =	rddreg [dreg:$0x9];
	[sflag:s13] =	ssyncadd.s32 $0xFFFFA000  }
0x133: {  	[hbm:s10], [sflag:s18] =	dma.local [spmem:s19], $0xC00  }
0x134: {  	_ =	swait.ge [sflag:s14], $0x6000  }
0x135: {  	[sflag:s14] =	ssyncset.done $0x0  }
0x136: {  	[sflag:s14] =	ssyncadd.s32 $0xFFFFA000  }
0x137: {  	_ =	swait.ge [sflag:s17], $0xC00  }
0x138: {  	[sflag:s17] =	ssyncset.done $0x0  }
0x139: {  	[sflag:s17] =	ssyncadd.s32 $0xFFFFF400  }
0x13a: {  	[spmem:s2] =	stream.linear.scatter [tilespmem:s0], [sflag:$0x4], $0x6000, $0x38;
	[tilespmem:$0x18800] =	vst v63  }
0x13b: {  	v3 =	vld [tilespmem:$0x300];
	_ =	sdelay $0x4  }
0x13c: {  	v48 =	vshrl.u32 v3, $0x3  }
0x13d: {  	v4 =	vmul.u32 $0x30, v48  }
0x13e: {  	v3 =	vand.u32 $0x7, v3  }
0x13f: {  	v3 =	vor.u32 v3, v4  }
0x140: {  	v4 =	vperm.xlane v3, v0;
	_ =	sdelay $0x1  }
0x141: {  	v4 =	vadd.s32 v1, v4;
	_ =	sdelay $0x3  }
0x142: {  	s12 =	simm.s32 $0x800;
	v3 =	vperm.xlane v3, v2  }
0x143: {  	[tilespmem:s12], [sflag:$0x1] =	stream.indirect_vreg.gather [hbm4b:s1+s3], $0x80, v4, vm0, $0xb8;
	[tilespmem:$0x18800] =	vst v63  }
0x144: {  	v3 =	vadd.s32 v1, v3  }
0x145: {  	[tilespmem:s31], [sflag:$0x1] =	stream.indirect_vreg.gather [hbm4b:s5+s3], $0x80, v4, vm0, $0xb8;
	[tilespmem:$0x18800] =	vst v63  }
0x146: {  	_ = 	snop  }
0x147: {  	[tilespmem:s30], [sflag:$0x1] =	stream.indirect_vreg.gather [hbm4b:s6+s3], $0x80, v4, vm0, $0xb8;
	[tilespmem:$0x18800] =	vst v63  }
0x148: {  	_ = 	snop  }
0x149: {  	[tilespmem:s11], [sflag:$0x1] =	stream.indirect_vreg.gather [hbm4b:s1+s3], $0x80, v3, vm0, $0xb8;
	[tilespmem:$0x18800] =	vst v63  }
0x14a: {  	_ = 	snop  }
0x14b: {  	[tilespmem:s24], [sflag:$0x1] =	stream.indirect_vreg.gather [hbm4b:s5+s3], $0x80, v3, vm0, $0xb8;
	[tilespmem:$0x18800] =	vst v63  }
0x14c: {  	s31 =	simm.s32 $0x3000  }
0x14d: {  	[tilespmem:s31], [sflag:$0x1] =	stream.indirect_vreg.gather [hbm4b:s6+s3], $0x80, v3, vm0, $0xb8;
	[tilespmem:$0x18800] =	vst v63  }
0x14e: {  	v3 =	vld [tilespmem:$0x310];
	_ =	sdelay $0x4  }
0x14f: {  	v49 =	vshrl.u32 v3, $0x3  }
0x150: {  	v4 =	vmul.u32 $0x30, v49  }
0x151: {  	v3 =	vand.u32 $0x7, v3  }
0x152: {  	v3 =	vor.u32 v3, v4  }
0x153: {  	v4 =	vperm.xlane v3, v0;
	_ =	sdelay $0x1  }
0x154: {  	v4 =	vadd.s32 v1, v4;
	_ =	sdelay $0x3  }
0x155: {  	s28 =	simm.s32 $0x3800;
	v3 =	vperm.xlane v3, v2  }
0x156: {  	[tilespmem:s28], [sflag:$0x1] =	stream.indirect_vreg.gather [hbm4b:s1+s3], $0x80, v4, vm0, $0xb8;
	[tilespmem:$0x18800] =	vst v63  }
0x157: {  	v3 =	vadd.s32 v1, v3  }
0x158: {  	[tilespmem:s29], [sflag:$0x1] =	stream.indirect_vreg.gather [hbm4b:s5+s3], $0x80, v4, vm0, $0xb8;
	[tilespmem:$0x18800] =	vst v63  }
0x159: {  	s24 =	simm.s32 $0x4800  }
0x15a: {  	[tilespmem:s24], [sflag:$0x1] =	stream.indirect_vreg.gather [hbm4b:s6+s3], $0x80, v4, vm0, $0xb8;
	[tilespmem:$0x18800] =	vst v63  }
0x15b: {  	s25 =	simm.s32 $0x5000  }
0x15c: {  	[tilespmem:s25], [sflag:$0x1] =	stream.indirect_vreg.gather [hbm4b:s1+s3], $0x80, v3, vm0, $0xb8;
	[tilespmem:$0x18800] =	vst v63  }
0x15d: {  	s26 =	simm.s32 $0x5800  }
0x15e: {  	[tilespmem:s26], [sflag:$0x1] =	stream.indirect_vreg.gather [hbm4b:s5+s3], $0x80, v3, vm0, $0xb8;
	[tilespmem:$0x18800] =	vst v63  }
0x15f: {  	s29 =	simm.s32 $0x6000  }
0x160: {  	[tilespmem:s29], [sflag:$0x1] =	stream.indirect_vreg.gather [hbm4b:s6+s3], $0x80, v3, vm0, $0xb8;
	[tilespmem:$0x18800] =	vst v63  }
0x161: {  	_ =	swait.ge [sflag:s15], $0x6000  }
0x162: {  	[sflag:s15] =	ssyncset.done $0x0  }
0x163: {  	s11 =	rddreg [dreg:$0xa];
	[sflag:s15] =	ssyncadd.s32 $0xFFFFA000  }
0x164: {  	[hbm:s11], [sflag:s20] =	dma.local [spmem:s21], $0xC00  }
0x165: {  	_ =	swait.ge [sflag:s23], $0x6000  }
0x166: {  	[sflag:s23] =	ssyncset.done $0x0  }
0x167: {  	[sflag:s23] =	ssyncadd.s32 $0xFFFFA000  }
0x168: {  	_ =	swait.ge [sflag:s16], $0xC00  }
0x169: {  	[sflag:s16] =	ssyncset.done $0x0  }
0x16a: {  	[sflag:s16] =	ssyncadd.s32 $0xFFFFF400  }
0x16b: {  	[spmem:s8] =	stream.linear.scatter [tilespmem:s12], [sflag:$0x3], $0x6000, $0x38;
	[tilespmem:$0x18800] =	vst v63  }
0x16c: {  	v3 =	vld [tilespmem:$0x380];
	_ =	sdelay $0x4  }
0x16d: {  	v50 =	vshrl.u32 v3, $0x3  }
0x16e: {  	v4 =	vmul.u32 $0x30, v50  }
0x16f: {  	v3 =	vand.u32 $0x7, v3  }
0x170: {  	v3 =	vor.u32 v3, v4  }
0x171: {  	v4 =	vperm.xlane v3, v0;
	_ =	sdelay $0x1  }
0x172: {  	v4 =	vadd.s32 v1, v4;
	_ =	sdelay $0x3  }
0x173: {  	s10 =	simm.s32 $0x6800;
	v3 =	vperm.xlane v3, v2  }
0x174: {  	[tilespmem:s10], [sflag:$0x2] =	stream.indirect_vreg.gather [hbm4b:s1+s3], $0x80, v4, vm0, $0xb8;
	[tilespmem:$0x18800] =	vst v63  }
0x175: {  	s25 =	simm.s32 $0x7000;
	v3 =	vadd.s32 v1, v3  }
0x176: {  	[tilespmem:s25], [sflag:$0x2] =	stream.indirect_vreg.gather [hbm4b:s5+s3], $0x80, v4, vm0, $0xb8;
	[tilespmem:$0x18800] =	vst v63  }
0x177: {  	s29 =	simm.s32 $0x7800  }
0x178: {  	[tilespmem:s29], [sflag:$0x2] =	stream.indirect_vreg.gather [hbm4b:s6+s3], $0x80, v4, vm0, $0xb8;
	[tilespmem:$0x18800] =	vst v63  }
0x179: {  	s10 =	simm.s32 $0x8000  }
0x17a: {  	[tilespmem:s10], [sflag:$0x2] =	stream.indirect_vreg.gather [hbm4b:s1+s3], $0x80, v3, vm0, $0xb8;
	[tilespmem:$0x18800] =	vst v63  }
0x17b: {  	s11 =	simm.s32 $0x8800  }
0x17c: {  	[tilespmem:s11], [sflag:$0x2] =	stream.indirect_vreg.gather [hbm4b:s5+s3], $0x80, v3, vm0, $0xb8;
	[tilespmem:$0x18800] =	vst v63  }
0x17d: {  	_ = 	snop  }
0x17e: {  	[tilespmem:s9], [sflag:$0x2] =	stream.indirect_vreg.gather [hbm4b:s6+s3], $0x80, v3, vm0, $0xb8;
	[tilespmem:$0x18800] =	vst v63  }
0x17f: {  	v3 =	vld [tilespmem:$0x390];
	_ =	sdelay $0x4  }
0x180: {  	v51 =	vshrl.u32 v3, $0x3  }
0x181: {  	v4 =	vmul.u32 $0x30, v51  }
0x182: {  	v3 =	vand.u32 $0x7, v3  }
0x183: {  	v3 =	vor.u32 v3, v4  }
0x184: {  	v4 =	vperm.xlane v3, v0;
	_ =	sdelay $0x1  }
0x185: {  	v4 =	vadd.s32 v1, v4;
	_ =	sdelay $0x3  }
0x186: {  	v3 =	vperm.xlane v3, v2  }
0x187: {  	[tilespmem:s7], [sflag:$0x2] =	stream.indirect_vreg.gather [hbm4b:s1+s3], $0x80, v4, vm0, $0xb8;
	[tilespmem:$0x18800] =	vst v63  }
0x188: {  	s12 =	simm.s32 $0xA000;
	v3 =	vadd.s32 v1, v3  }
0x189: {  	[tilespmem:s12], [sflag:$0x2] =	stream.indirect_vreg.gather [hbm4b:s5+s3], $0x80, v4, vm0, $0xb8;
	[tilespmem:$0x18800] =	vst v63  }
0x18a: {  	s9 =	simm.s32 $0xA800  }
0x18b: {  	[tilespmem:s9], [sflag:$0x2] =	stream.indirect_vreg.gather [hbm4b:s6+s3], $0x80, v4, vm0, $0xb8;
	[tilespmem:$0x18800] =	vst v63  }
0x18c: {  	s12 =	simm.s32 $0xB000  }
0x18d: {  	[tilespmem:s12], [sflag:$0x2] =	stream.indirect_vreg.gather [hbm4b:s1+s3], $0x80, v3, vm0, $0xb8;
	[tilespmem:$0x18800] =	vst v63  }
0x18e: {  	s24 =	simm.s32 $0xB800  }
0x18f: {  	[tilespmem:s24], [sflag:$0x2] =	stream.indirect_vreg.gather [hbm4b:s5+s3], $0x80, v3, vm0, $0xb8;
	[tilespmem:$0x18800] =	vst v63  }
0x190: {  	s22 =	simm.s32 $0xC000  }
0x191: {  	[tilespmem:s22], [sflag:$0x2] =	stream.indirect_vreg.gather [hbm4b:s6+s3], $0x80, v3, vm0, $0xb8;
	[tilespmem:$0x18800] =	vst v63  }
0x192: {  	_ =	swait.ge [sflag:s13], $0x6000  }
0x193: {  	[sflag:s13] =	ssyncset.done $0x0  }
0x194: {  	s7 =	rddreg [dreg:$0xb];
	[sflag:s13] =	ssyncadd.s32 $0xFFFFA000  }
0x195: {  	[hbm:s7], [sflag:s18] =	dma.local [spmem:s19], $0xC00  }
0x196: {  	_ =	swait.ge [sflag:s14], $0x6000  }
0x197: {  	[sflag:s14] =	ssyncset.done $0x0  }
0x198: {  	[sflag:s14] =	ssyncadd.s32 $0xFFFFA000  }
0x199: {  	_ =	swait.ge [sflag:s17], $0xC00  }
0x19a: {  	[sflag:s17] =	ssyncset.done $0x0  }
0x19b: {  	s4 =	simm.s32 $0x6800;
	[sflag:s17] =	ssyncadd.s32 $0xFFFFF400  }
0x19c: {  	[spmem:s2] =	stream.linear.scatter [tilespmem:s4], [sflag:$0x4], $0x6000, $0x38;
	[tilespmem:$0x18800] =	vst v63  }
0x19d: {  	v3 =	vld [tilespmem:$0x400];
	_ =	sdelay $0x4  }
0x19e: {  	v52 =	vshrl.u32 v3, $0x3  }
0x19f: {  	v4 =	vmul.u32 $0x30, v52  }
0x1a0: {  	v3 =	vand.u32 $0x7, v3  }
0x1a1: {  	v3 =	vor.u32 v3, v4  }
0x1a2: {  	v4 =	vperm.xlane v3, v0;
	_ =	sdelay $0x1  }
0x1a3: {  	v4 =	vadd.s32 v1, v4;
	_ =	sdelay $0x3  }
0x1a4: {  	s26 =	simm.s32 $0x800;
	v3 =	vperm.xlane v3, v2  }
0x1a5: {  	[tilespmem:s26], [sflag:$0x1] =	stream.indirect_vreg.gather [hbm4b:s1+s3], $0x80, v4, vm0, $0xb8;
	[tilespmem:$0x18800] =	vst v63  }
0x1a6: {  	v3 =	vadd.s32 v1, v3;
	s26 =	simm.s32 $0x1000  }
0x1a7: {  	[tilespmem:s26], [sflag:$0x1] =	stream.indirect_vreg.gather [hbm4b:s5+s3], $0x80, v4, vm0, $0xb8;
	[tilespmem:$0x18800] =	vst v63  }
0x1a8: {  	s30 =	simm.s32 $0x1800  }
0x1a9: {  	[tilespmem:s30], [sflag:$0x1] =	stream.indirect_vreg.gather [hbm4b:s6+s3], $0x80, v4, vm0, $0xb8;
	[tilespmem:$0x18800] =	vst v63  }
0x1aa: {  	s7 =	simm.s32 $0x2000  }
0x1ab: {  	[tilespmem:s7], [sflag:$0x1] =	stream.indirect_vreg.gather [hbm4b:s1+s3], $0x80, v3, vm0, $0xb8;
	[tilespmem:$0x18800] =	vst v63  }
0x1ac: {  	s30 =	simm.s32 $0x2800  }
0x1ad: {  	[tilespmem:s30], [sflag:$0x1] =	stream.indirect_vreg.gather [hbm4b:s5+s3], $0x80, v3, vm0, $0xb8;
	[tilespmem:$0x18800] =	vst v63  }
0x1ae: {  	_ = 	snop  }
0x1af: {  	[tilespmem:s31], [sflag:$0x1] =	stream.indirect_vreg.gather [hbm4b:s6+s3], $0x80, v3, vm0, $0xb8;
	[tilespmem:$0x18800] =	vst v63  }
0x1b0: {  	v3 =	vld [tilespmem:$0x410];
	_ =	sdelay $0x4  }
0x1b1: {  	v53 =	vshrl.u32 v3, $0x3  }
0x1b2: {  	v4 =	vmul.u32 $0x30, v53  }
0x1b3: {  	v3 =	vand.u32 $0x7, v3  }
0x1b4: {  	v3 =	vor.u32 v3, v4  }
0x1b5: {  	v4 =	vperm.xlane v3, v0;
	_ =	sdelay $0x1  }
0x1b6: {  	v4 =	vadd.s32 v1, v4;
	_ =	sdelay $0x3  }
0x1b7: {  	v3 =	vperm.xlane v3, v2  }
0x1b8: {  	[tilespmem:s28], [sflag:$0x1] =	stream.indirect_vreg.gather [hbm4b:s1+s3], $0x80, v4, vm0, $0xb8;
	[tilespmem:$0x18800] =	vst v63  }
0x1b9: {  	s31 =	simm.s32 $0x4000;
	v3 =	vadd.s32 v1, v3  }
0x1ba: {  	[tilespmem:s31], [sflag:$0x1] =	stream.indirect_vreg.gather [hbm4b:s5+s3], $0x80, v4, vm0, $0xb8;
	[tilespmem:$0x18800] =	vst v63  }
0x1bb: {  	s28 =	simm.s32 $0x4800  }
0x1bc: {  	[tilespmem:s28], [sflag:$0x1] =	stream.indirect_vreg.gather [hbm4b:s6+s3], $0x80, v4, vm0, $0xb8;
	[tilespmem:$0x18800] =	vst v63  }
0x1bd: {  	s31 =	simm.s32 $0x5000  }
0x1be: {  	[tilespmem:s31], [sflag:$0x1] =	stream.indirect_vreg.gather [hbm4b:s1+s3], $0x80, v3, vm0, $0xb8;
	[tilespmem:$0x18800] =	vst v63  }
0x1bf: {  	s22 =	simm.s32 $0x5800  }
0x1c0: {  	[tilespmem:s22], [sflag:$0x1] =	stream.indirect_vreg.gather [hbm4b:s5+s3], $0x80, v3, vm0, $0xb8;
	[tilespmem:$0x18800] =	vst v63  }
0x1c1: {  	s22 =	simm.s32 $0x6000  }
0x1c2: {  	[tilespmem:s22], [sflag:$0x1] =	stream.indirect_vreg.gather [hbm4b:s6+s3], $0x80, v3, vm0, $0xb8;
	[tilespmem:$0x18800] =	vst v63  }
0x1c3: {  	_ =	swait.ge [sflag:s15], $0x6000  }
0x1c4: {  	[sflag:s15] =	ssyncset.done $0x0  }
0x1c5: {  	s22 =	rddreg [dreg:$0xc];
	[sflag:s15] =	ssyncadd.s32 $0xFFFFA000  }
0x1c6: {  	[hbm:s22], [sflag:s20] =	dma.local [spmem:s21], $0xC00  }
0x1c7: {  	_ =	swait.ge [sflag:s23], $0x6000  }
0x1c8: {  	[sflag:s23] =	ssyncset.done $0x0  }
0x1c9: {  	[sflag:s23] =	ssyncadd.s32 $0xFFFFA000  }
0x1ca: {  	_ =	swait.ge [sflag:s16], $0xC00  }
0x1cb: {  	[sflag:s16] =	ssyncset.done $0x0  }
0x1cc: {  	s4 =	simm.s32 $0x800;
	[sflag:s16] =	ssyncadd.s32 $0xFFFFF400  }
0x1cd: {  	[spmem:s8] =	stream.linear.scatter [tilespmem:s4], [sflag:$0x3], $0x6000, $0x38;
	[tilespmem:$0x18800] =	vst v63  }
0x1ce: {  	v3 =	vld [tilespmem:$0x480];
	_ =	sdelay $0x4  }
0x1cf: {  	v54 =	vshrl.u32 v3, $0x3  }
0x1d0: {  	v4 =	vmul.u32 $0x30, v54  }
0x1d1: {  	v3 =	vand.u32 $0x7, v3  }
0x1d2: {  	v3 =	vor.u32 v3, v4  }
0x1d3: {  	v4 =	vperm.xlane v3, v0;
	_ =	sdelay $0x1  }
0x1d4: {  	v4 =	vadd.s32 v1, v4;
	_ =	sdelay $0x3  }
0x1d5: {  	s0 =	simm.s32 $0x6800;
	v3 =	vperm.xlane v3, v2  }
0x1d6: {  	[tilespmem:s0], [sflag:$0x2] =	stream.indirect_vreg.gather [hbm4b:s1+s3], $0x80, v4, vm0, $0xb8;
	[tilespmem:$0x18800] =	vst v63  }
0x1d7: {  	v3 =	vadd.s32 v1, v3  }
0x1d8: {  	[tilespmem:s25], [sflag:$0x2] =	stream.indirect_vreg.gather [hbm4b:s5+s3], $0x80, v4, vm0, $0xb8;
	[tilespmem:$0x18800] =	vst v63  }
0x1d9: {  	_ = 	snop  }
0x1da: {  	[tilespmem:s29], [sflag:$0x2] =	stream.indirect_vreg.gather [hbm4b:s6+s3], $0x80, v4, vm0, $0xb8;
	[tilespmem:$0x18800] =	vst v63  }
0x1db: {  	_ = 	snop  }
0x1dc: {  	[tilespmem:s10], [sflag:$0x2] =	stream.indirect_vreg.gather [hbm4b:s1+s3], $0x80, v3, vm0, $0xb8;
	[tilespmem:$0x18800] =	vst v63  }
0x1dd: {  	_ = 	snop  }
0x1de: {  	[tilespmem:s11], [sflag:$0x2] =	stream.indirect_vreg.gather [hbm4b:s5+s3], $0x80, v3, vm0, $0xb8;
	[tilespmem:$0x18800] =	vst v63  }
0x1df: {  	s11 =	simm.s32 $0x9000  }
0x1e0: {  	[tilespmem:s11], [sflag:$0x2] =	stream.indirect_vreg.gather [hbm4b:s6+s3], $0x80, v3, vm0, $0xb8;
	[tilespmem:$0x18800] =	vst v63  }
0x1e1: {  	v3 =	vld [tilespmem:$0x490];
	_ =	sdelay $0x4  }
0x1e2: {  	v55 =	vshrl.u32 v3, $0x3  }
0x1e3: {  	v4 =	vmul.u32 $0x30, v55  }
0x1e4: {  	v3 =	vand.u32 $0x7, v3  }
0x1e5: {  	v3 =	vor.u32 v3, v4  }
0x1e6: {  	v4 =	vperm.xlane v3, v0;
	_ =	sdelay $0x1  }
0x1e7: {  	v4 =	vadd.s32 v1, v4;
	_ =	sdelay $0x3  }
0x1e8: {  	s22 =	simm.s32 $0x9800;
	v3 =	vperm.xlane v3, v2  }
0x1e9: {  	[tilespmem:s22], [sflag:$0x2] =	stream.indirect_vreg.gather [hbm4b:s1+s3], $0x80, v4, vm0, $0xb8;
	[tilespmem:$0x18800] =	vst v63  }
0x1ea: {  	s29 =	simm.s32 $0xA000;
	v3 =	vadd.s32 v1, v3  }
0x1eb: {  	[tilespmem:s29], [sflag:$0x2] =	stream.indirect_vreg.gather [hbm4b:s5+s3], $0x80, v4, vm0, $0xb8;
	[tilespmem:$0x18800] =	vst v63  }
0x1ec: {  	_ = 	snop  }
0x1ed: {  	[tilespmem:s9], [sflag:$0x2] =	stream.indirect_vreg.gather [hbm4b:s6+s3], $0x80, v4, vm0, $0xb8;
	[tilespmem:$0x18800] =	vst v63  }
0x1ee: {  	_ = 	snop  }
0x1ef: {  	[tilespmem:s12], [sflag:$0x2] =	stream.indirect_vreg.gather [hbm4b:s1+s3], $0x80, v3, vm0, $0xb8;
	[tilespmem:$0x18800] =	vst v63  }
0x1f0: {  	_ = 	snop  }
0x1f1: {  	[tilespmem:s24], [sflag:$0x2] =	stream.indirect_vreg.gather [hbm4b:s5+s3], $0x80, v3, vm0, $0xb8;
	[tilespmem:$0x18800] =	vst v63  }
0x1f2: {  	s10 =	simm.s32 $0xC000  }
0x1f3: {  	[tilespmem:s10], [sflag:$0x2] =	stream.indirect_vreg.gather [hbm4b:s6+s3], $0x80, v3, vm0, $0xb8;
	[tilespmem:$0x18800] =	vst v63  }
0x1f4: {  	_ =	swait.ge [sflag:s13], $0x6000  }
0x1f5: {  	[sflag:s13] =	ssyncset.done $0x0  }
0x1f6: {  	s11 =	rddreg [dreg:$0xd];
	[sflag:s13] =	ssyncadd.s32 $0xFFFFA000  }
0x1f7: {  	[hbm:s11], [sflag:s18] =	dma.local [spmem:s19], $0xC00  }
0x1f8: {  	_ =	swait.ge [sflag:s14], $0x6000  }
0x1f9: {  	[sflag:s14] =	ssyncset.done $0x0  }
0x1fa: {  	[sflag:s14] =	ssyncadd.s32 $0xFFFFA000  }
0x1fb: {  	_ =	swait.ge [sflag:s17], $0xC00  }
0x1fc: {  	[sflag:s17] =	ssyncset.done $0x0  }
0x1fd: {  	[sflag:s17] =	ssyncadd.s32 $0xFFFFF400  }
0x1fe: {  	[spmem:s2] =	stream.linear.scatter [tilespmem:s0], [sflag:$0x4], $0x6000, $0x38;
	[tilespmem:$0x18800] =	vst v63  }
0x1ff: {  	v3 =	vld [tilespmem:$0x500];
	_ =	sdelay $0x4  }
0x200: {  	v56 =	vshrl.u32 v3, $0x3  }
0x201: {  	v4 =	vmul.u32 $0x30, v56  }
0x202: {  	v3 =	vand.u32 $0x7, v3  }
0x203: {  	v3 =	vor.u32 v3, v4  }
0x204: {  	v4 =	vperm.xlane v3, v0;
	_ =	sdelay $0x1  }
0x205: {  	v4 =	vadd.s32 v1, v4;
	_ =	sdelay $0x3  }
0x206: {  	v3 =	vperm.xlane v3, v2  }
0x207: {  	[tilespmem:s4], [sflag:$0x1] =	stream.indirect_vreg.gather [hbm4b:s1+s3], $0x80, v4, vm0, $0xb8;
	[tilespmem:$0x18800] =	vst v63  }
0x208: {  	v3 =	vadd.s32 v1, v3  }
0x209: {  	[tilespmem:s26], [sflag:$0x1] =	stream.indirect_vreg.gather [hbm4b:s5+s3], $0x80, v4, vm0, $0xb8;
	[tilespmem:$0x18800] =	vst v63  }
0x20a: {  	s12 =	simm.s32 $0x1800  }
0x20b: {  	[tilespmem:s12], [sflag:$0x1] =	stream.indirect_vreg.gather [hbm4b:s6+s3], $0x80, v4, vm0, $0xb8;
	[tilespmem:$0x18800] =	vst v63  }
0x20c: {  	_ = 	snop  }
0x20d: {  	[tilespmem:s7], [sflag:$0x1] =	stream.indirect_vreg.gather [hbm4b:s1+s3], $0x80, v3, vm0, $0xb8;
	[tilespmem:$0x18800] =	vst v63  }
0x20e: {  	_ = 	snop  }
0x20f: {  	[tilespmem:s30], [sflag:$0x1] =	stream.indirect_vreg.gather [hbm4b:s5+s3], $0x80, v3, vm0, $0xb8;
	[tilespmem:$0x18800] =	vst v63  }
0x210: {  	s22 =	simm.s32 $0x3000  }
0x211: {  	[tilespmem:s22], [sflag:$0x1] =	stream.indirect_vreg.gather [hbm4b:s6+s3], $0x80, v3, vm0, $0xb8;
	[tilespmem:$0x18800] =	vst v63  }
0x212: {  	v3 =	vld [tilespmem:$0x510];
	_ =	sdelay $0x4  }
0x213: {  	v57 =	vshrl.u32 v3, $0x3  }
0x214: {  	v4 =	vmul.u32 $0x30, v57  }
0x215: {  	v3 =	vand.u32 $0x7, v3  }
0x216: {  	v3 =	vor.u32 v3, v4  }
0x217: {  	v4 =	vperm.xlane v3, v0;
	_ =	sdelay $0x1  }
0x218: {  	v4 =	vadd.s32 v1, v4;
	_ =	sdelay $0x3  }
0x219: {  	s29 =	simm.s32 $0x3800;
	v3 =	vperm.xlane v3, v2  }
0x21a: {  	[tilespmem:s29], [sflag:$0x1] =	stream.indirect_vreg.gather [hbm4b:s1+s3], $0x80, v4, vm0, $0xb8;
	[tilespmem:$0x18800] =	vst v63  }
0x21b: {  	s30 =	simm.s32 $0x4000;
	v3 =	vadd.s32 v1, v3  }
0x21c: {  	[tilespmem:s30], [sflag:$0x1] =	stream.indirect_vreg.gather [hbm4b:s5+s3], $0x80, v4, vm0, $0xb8;
	[tilespmem:$0x18800] =	vst v63  }
0x21d: {  	_ = 	snop  }
0x21e: {  	[tilespmem:s28], [sflag:$0x1] =	stream.indirect_vreg.gather [hbm4b:s6+s3], $0x80, v4, vm0, $0xb8;
	[tilespmem:$0x18800] =	vst v63  }
0x21f: {  	_ = 	snop  }
0x220: {  	[tilespmem:s31], [sflag:$0x1] =	stream.indirect_vreg.gather [hbm4b:s1+s3], $0x80, v3, vm0, $0xb8;
	[tilespmem:$0x18800] =	vst v63  }
0x221: {  	s0 =	simm.s32 $0x5800  }
0x222: {  	[tilespmem:s0], [sflag:$0x1] =	stream.indirect_vreg.gather [hbm4b:s5+s3], $0x80, v3, vm0, $0xb8;
	[tilespmem:$0x18800] =	vst v63  }
0x223: {  	s4 =	simm.s32 $0x6000  }
0x224: {  	[tilespmem:s4], [sflag:$0x1] =	stream.indirect_vreg.gather [hbm4b:s6+s3], $0x80, v3, vm0, $0xb8;
	[tilespmem:$0x18800] =	vst v63  }
0x225: {  	_ =	swait.ge [sflag:s15], $0x6000  }
0x226: {  	[sflag:s15] =	ssyncset.done $0x0  }
0x227: {  	s9 =	rddreg [dreg:$0xe];
	[sflag:s15] =	ssyncadd.s32 $0xFFFFA000  }
0x228: {  	[hbm:s9], [sflag:s20] =	dma.local [spmem:s21], $0xC00  }
0x229: {  	_ =	swait.ge [sflag:s23], $0x6000  }
0x22a: {  	[sflag:s23] =	ssyncset.done $0x0  }
0x22b: {  	[sflag:s23] =	ssyncadd.s32 $0xFFFFA000  }
0x22c: {  	_ =	swait.ge [sflag:s16], $0xC00  }
0x22d: {  	[sflag:s16] =	ssyncset.done $0x0  }
0x22e: {  	s0 =	simm.s32 $0x800;
	[sflag:s16] =	ssyncadd.s32 $0xFFFFF400  }
0x22f: {  	[spmem:s8] =	stream.linear.scatter [tilespmem:s0], [sflag:$0x3], $0x6000, $0x38;
	[tilespmem:$0x18800] =	vst v63  }
0x230: {  	v3 =	vld [tilespmem:$0x580];
	_ =	sdelay $0x4  }
0x231: {  	v58 =	vshrl.u32 v3, $0x3  }
0x232: {  	v4 =	vmul.u32 $0x30, v58  }
0x233: {  	v3 =	vand.u32 $0x7, v3  }
0x234: {  	v3 =	vor.u32 v3, v4  }
0x235: {  	v4 =	vperm.xlane v3, v0;
	_ =	sdelay $0x1  }
0x236: {  	v4 =	vadd.s32 v1, v4;
	_ =	sdelay $0x3  }
0x237: {  	s4 =	simm.s32 $0x6800;
	v3 =	vperm.xlane v3, v2  }
0x238: {  	[tilespmem:s4], [sflag:$0x2] =	stream.indirect_vreg.gather [hbm4b:s1+s3], $0x80, v4, vm0, $0xb8;
	[tilespmem:$0x18800] =	vst v63  }
0x239: {  	s29 =	simm.s32 $0x7000;
	v3 =	vadd.s32 v1, v3  }
0x23a: {  	[tilespmem:s29], [sflag:$0x2] =	stream.indirect_vreg.gather [hbm4b:s5+s3], $0x80, v4, vm0, $0xb8;
	[tilespmem:$0x18800] =	vst v63  }
0x23b: {  	s9 =	simm.s32 $0x7800  }
0x23c: {  	[tilespmem:s9], [sflag:$0x2] =	stream.indirect_vreg.gather [hbm4b:s6+s3], $0x80, v4, vm0, $0xb8;
	[tilespmem:$0x18800] =	vst v63  }
0x23d: {  	s25 =	simm.s32 $0x8000  }
0x23e: {  	[tilespmem:s25], [sflag:$0x2] =	stream.indirect_vreg.gather [hbm4b:s1+s3], $0x80, v3, vm0, $0xb8;
	[tilespmem:$0x18800] =	vst v63  }
0x23f: {  	s22 =	simm.s32 $0x8800  }
0x240: {  	[tilespmem:s22], [sflag:$0x2] =	stream.indirect_vreg.gather [hbm4b:s5+s3], $0x80, v3, vm0, $0xb8;
	[tilespmem:$0x18800] =	vst v63  }
0x241: {  	s9 =	simm.s32 $0x9000  }
0x242: {  	[tilespmem:s9], [sflag:$0x2] =	stream.indirect_vreg.gather [hbm4b:s6+s3], $0x80, v3, vm0, $0xb8;
	[tilespmem:$0x18800] =	vst v63  }
0x243: {  	v3 =	vld [tilespmem:$0x590];
	_ =	sdelay $0x4  }
0x244: {  	v59 =	vshrl.u32 v3, $0x3  }
0x245: {  	v4 =	vmul.u32 $0x30, v59  }
0x246: {  	v3 =	vand.u32 $0x7, v3  }
0x247: {  	v3 =	vor.u32 v3, v4  }
0x248: {  	v4 =	vperm.xlane v3, v0;
	_ =	sdelay $0x1  }
0x249: {  	v4 =	vadd.s32 v1, v4;
	_ =	sdelay $0x3  }
0x24a: {  	s7 =	simm.s32 $0x9800;
	v3 =	vperm.xlane v3, v2  }
0x24b: {  	[tilespmem:s7], [sflag:$0x2] =	stream.indirect_vreg.gather [hbm4b:s1+s3], $0x80, v4, vm0, $0xb8;
	[tilespmem:$0x18800] =	vst v63  }
0x24c: {  	s22 =	simm.s32 $0xA000;
	v3 =	vadd.s32 v1, v3  }
0x24d: {  	[tilespmem:s22], [sflag:$0x2] =	stream.indirect_vreg.gather [hbm4b:s5+s3], $0x80, v4, vm0, $0xb8;
	[tilespmem:$0x18800] =	vst v63  }
0x24e: {  	s22 =	simm.s32 $0xA800  }
0x24f: {  	[tilespmem:s22], [sflag:$0x2] =	stream.indirect_vreg.gather [hbm4b:s6+s3], $0x80, v4, vm0, $0xb8;
	[tilespmem:$0x18800] =	vst v63  }
0x250: {  	s22 =	simm.s32 $0xB000  }
0x251: {  	[tilespmem:s22], [sflag:$0x2] =	stream.indirect_vreg.gather [hbm4b:s1+s3], $0x80, v3, vm0, $0xb8;
	[tilespmem:$0x18800] =	vst v63  }
0x252: {  	s22 =	simm.s32 $0xB800  }
0x253: {  	[tilespmem:s22], [sflag:$0x2] =	stream.indirect_vreg.gather [hbm4b:s5+s3], $0x80, v3, vm0, $0xb8;
	[tilespmem:$0x18800] =	vst v63  }
0x254: {  	s22 =	simm.s32 $0xC000  }
0x255: {  	[tilespmem:s22], [sflag:$0x2] =	stream.indirect_vreg.gather [hbm4b:s6+s3], $0x80, v3, vm0, $0xb8;
	[tilespmem:$0x18800] =	vst v63  }
0x256: {  	_ =	swait.ge [sflag:s13], $0x6000  }
0x257: {  	[sflag:s13] =	ssyncset.done $0x0  }
0x258: {  	s22 =	rddreg [dreg:$0xf];
	[sflag:s13] =	ssyncadd.s32 $0xFFFFA000  }
0x259: {  	[hbm:s22], [sflag:s18] =	dma.local [spmem:s19], $0xC00  }
0x25a: {  	_ =	swait.ge [sflag:s14], $0x6000  }
0x25b: {  	[sflag:s14] =	ssyncset.done $0x0  }
0x25c: {  	[sflag:s14] =	ssyncadd.s32 $0xFFFFA000  }
0x25d: {  	_ =	swait.ge [sflag:s17], $0xC00  }
0x25e: {  	[sflag:s17] =	ssyncset.done $0x0  }
0x25f: {  	[sflag:s17] =	ssyncadd.s32 $0xFFFFF400  }
0x260: {  	[spmem:s2] =	stream.linear.scatter [tilespmem:s4], [sflag:$0x4], $0x6000, $0x38;
	[tilespmem:$0x18800] =	vst v63  }
0x261: {  	v3 =	vld [tilespmem:$0x600];
	_ =	sdelay $0x4  }
0x262: {  	v60 =	vshrl.u32 v3, $0x3  }
0x263: {  	v4 =	vmul.u32 $0x30, v60  }
0x264: {  	v3 =	vand.u32 $0x7, v3  }
0x265: {  	v3 =	vor.u32 v3, v4  }
0x266: {  	v4 =	vperm.xlane v3, v0;
	_ =	sdelay $0x1  }
0x267: {  	v4 =	vadd.s32 v1, v4;
	_ =	sdelay $0x3  }
0x268: {  	v3 =	vperm.xlane v3, v2  }
0x269: {  	[tilespmem:s0], [sflag:$0x1] =	stream.indirect_vreg.gather [hbm4b:s1+s3], $0x80, v4, vm0, $0xb8;
	[tilespmem:$0x18800] =	vst v63  }
0x26a: {  	s24 =	simm.s32 $0x1000;
	v3 =	vadd.s32 v1, v3  }
0x26b: {  	[tilespmem:s24], [sflag:$0x1] =	stream.indirect_vreg.gather [hbm4b:s5+s3], $0x80, v4, vm0, $0xb8;
	[tilespmem:$0x18800] =	vst v63  }
0x26c: {  	s24 =	simm.s32 $0x1800  }
0x26d: {  	[tilespmem:s24], [sflag:$0x1] =	stream.indirect_vreg.gather [hbm4b:s6+s3], $0x80, v4, vm0, $0xb8;
	[tilespmem:$0x18800] =	vst v63  }
0x26e: {  	s11 =	simm.s32 $0x2000  }
0x26f: {  	[tilespmem:s11], [sflag:$0x1] =	stream.indirect_vreg.gather [hbm4b:s1+s3], $0x80, v3, vm0, $0xb8;
	[tilespmem:$0x18800] =	vst v63  }
0x270: {  	s26 =	simm.s32 $0x2800  }
0x271: {  	[tilespmem:s26], [sflag:$0x1] =	stream.indirect_vreg.gather [hbm4b:s5+s3], $0x80, v3, vm0, $0xb8;
	[tilespmem:$0x18800] =	vst v63  }
0x272: {  	s24 =	simm.s32 $0x3000  }
0x273: {  	[tilespmem:s24], [sflag:$0x1] =	stream.indirect_vreg.gather [hbm4b:s6+s3], $0x80, v3, vm0, $0xb8;
	[tilespmem:$0x18800] =	vst v63  }
0x274: {  	v3 =	vld [tilespmem:$0x610];
	_ =	sdelay $0x4  }
0x275: {  	v61 =	vshrl.u32 v3, $0x3  }
0x276: {  	v4 =	vmul.u32 $0x30, v61  }
0x277: {  	v3 =	vand.u32 $0x7, v3  }
0x278: {  	v3 =	vor.u32 v3, v4  }
0x279: {  	v4 =	vperm.xlane v3, v0;
	_ =	sdelay $0x1  }
0x27a: {  	v4 =	vadd.s32 v1, v4;
	_ =	sdelay $0x3  }
0x27b: {  	s26 =	simm.s32 $0x3800;
	v3 =	vperm.xlane v3, v2  }
0x27c: {  	[tilespmem:s26], [sflag:$0x1] =	stream.indirect_vreg.gather [hbm4b:s1+s3], $0x80, v4, vm0, $0xb8;
	[tilespmem:$0x18800] =	vst v63  }
0x27d: {  	s12 =	simm.s32 $0x4000;
	v3 =	vadd.s32 v1, v3  }
0x27e: {  	[tilespmem:s12], [sflag:$0x1] =	stream.indirect_vreg.gather [hbm4b:s5+s3], $0x80, v4, vm0, $0xb8;
	[tilespmem:$0x18800] =	vst v63  }
0x27f: {  	s28 =	simm.s32 $0x4800  }
0x280: {  	[tilespmem:s28], [sflag:$0x1] =	stream.indirect_vreg.gather [hbm4b:s6+s3], $0x80, v4, vm0, $0xb8;
	[tilespmem:$0x18800] =	vst v63  }
0x281: {  	s30 =	simm.s32 $0x5000  }
0x282: {  	[tilespmem:s30], [sflag:$0x1] =	stream.indirect_vreg.gather [hbm4b:s1+s3], $0x80, v3, vm0, $0xb8;
	[tilespmem:$0x18800] =	vst v63  }
0x283: {  	s31 =	simm.s32 $0x5800  }
0x284: {  	[tilespmem:s31], [sflag:$0x1] =	stream.indirect_vreg.gather [hbm4b:s5+s3], $0x80, v3, vm0, $0xb8;
	[tilespmem:$0x18800] =	vst v63  }
0x285: {  	s10 =	simm.s32 $0x6000  }
0x286: {  	[tilespmem:s10], [sflag:$0x1] =	stream.indirect_vreg.gather [hbm4b:s6+s3], $0x80, v3, vm0, $0xb8;
	[tilespmem:$0x18800] =	vst v63  }
0x287: {  	_ =	swait.ge [sflag:s15], $0x6000  }
0x288: {  	[sflag:s15] =	ssyncset.done $0x0  }
0x289: {  	s10 =	rddreg [dreg:$0x10];
	[sflag:s15] =	ssyncadd.s32 $0xFFFFA000  }
0x28a: {  	[hbm:s10], [sflag:s20] =	dma.local [spmem:s21], $0xC00  }
0x28b: {  	_ =	swait.ge [sflag:s23], $0x6000  }
0x28c: {  	[sflag:s23] =	ssyncset.done $0x0  }
0x28d: {  	[sflag:s23] =	ssyncadd.s32 $0xFFFFA000  }
0x28e: {  	_ =	swait.ge [sflag:s16], $0xC00  }
0x28f: {  	[sflag:s16] =	ssyncset.done $0x0  }
0x290: {  	s0 =	simm.s32 $0x800;
	[sflag:s16] =	ssyncadd.s32 $0xFFFFF400  }
0x291: {  	[spmem:s8] =	stream.linear.scatter [tilespmem:s0], [sflag:$0x3], $0x6000, $0x38;
	[tilespmem:$0x18800] =	vst v63  }
0x292: {  	v3 =	vld [tilespmem:$0x680];
	_ =	sdelay $0x4  }
0x293: {  	v62 =	vshrl.u32 v3, $0x3  }
0x294: {  	v4 =	vmul.u32 $0x30, v62  }
0x295: {  	v3 =	vand.u32 $0x7, v3  }
0x296: {  	v3 =	vor.u32 v3, v4  }
0x297: {  	v4 =	vperm.xlane v3, v0;
	_ =	sdelay $0x1  }
0x298: {  	v4 =	vadd.s32 v1, v4;
	_ =	sdelay $0x3  }
0x299: {  	s4 =	simm.s32 $0x6800;
	v3 =	vperm.xlane v3, v2  }
0x29a: {  	[tilespmem:s4], [sflag:$0x2] =	stream.indirect_vreg.gather [hbm4b:s1+s3], $0x80, v4, vm0, $0xb8;
	[tilespmem:$0x18800] =	vst v63  }
0x29b: {  	s29 =	simm.s32 $0x7000;
	v3 =	vadd.s32 v1, v3  }
0x29c: {  	[tilespmem:s29], [sflag:$0x2] =	stream.indirect_vreg.gather [hbm4b:s5+s3], $0x80, v4, vm0, $0xb8;
	[tilespmem:$0x18800] =	vst v63  }
0x29d: {  	s11 =	simm.s32 $0x7800  }
0x29e: {  	[tilespmem:s11], [sflag:$0x2] =	stream.indirect_vreg.gather [hbm4b:s6+s3], $0x80, v4, vm0, $0xb8;
	[tilespmem:$0x18800] =	vst v63  }
0x29f: {  	s25 =	simm.s32 $0x8000  }
0x2a0: {  	[tilespmem:s25], [sflag:$0x2] =	stream.indirect_vreg.gather [hbm4b:s1+s3], $0x80, v3, vm0, $0xb8;
	[tilespmem:$0x18800] =	vst v63  }
0x2a1: {  	s22 =	simm.s32 $0x8800  }
0x2a2: {  	[tilespmem:s22], [sflag:$0x2] =	stream.indirect_vreg.gather [hbm4b:s5+s3], $0x80, v3, vm0, $0xb8;
	[tilespmem:$0x18800] =	vst v63  }
0x2a3: {  	_ = 	snop  }
0x2a4: {  	[tilespmem:s9], [sflag:$0x2] =	stream.indirect_vreg.gather [hbm4b:s6+s3], $0x80, v3, vm0, $0xb8;
	[tilespmem:$0x18800] =	vst v63  }
0x2a5: {  	v3 =	vld [tilespmem:$0x690];
	_ =	sdelay $0x4  }
0x2a6: {  	v63 =	vshrl.u32 v3, $0x3  }
0x2a7: {  	v4 =	vmul.u32 $0x30, v63  }
0x2a8: {  	v3 =	vand.u32 $0x7, v3  }
0x2a9: {  	v3 =	vor.u32 v3, v4  }
0x2aa: {  	v4 =	vperm.xlane v3, v0;
	_ =	sdelay $0x1  }
0x2ab: {  	v4 =	vadd.s32 v1, v4;
	_ =	sdelay $0x3  }
0x2ac: {  	v3 =	vperm.xlane v3, v2  }
0x2ad: {  	[tilespmem:s7], [sflag:$0x2] =	stream.indirect_vreg.gather [hbm4b:s1+s3], $0x80, v4, vm0, $0xb8;
	[tilespmem:$0x18800] =	vst v63  }
0x2ae: {  	s24 =	simm.s32 $0xA000;
	v3 =	vadd.s32 v1, v3  }
0x2af: {  	[tilespmem:s24], [sflag:$0x2] =	stream.indirect_vreg.gather [hbm4b:s5+s3], $0x80, v4, vm0, $0xb8;
	[tilespmem:$0x18800] =	vst v63  }
0x2b0: {  	s25 =	simm.s32 $0xA800  }
0x2b1: {  	[tilespmem:s25], [sflag:$0x2] =	stream.indirect_vreg.gather [hbm4b:s6+s3], $0x80, v4, vm0, $0xb8;
	[tilespmem:$0x18800] =	vst v63  }
0x2b2: {  	s26 =	simm.s32 $0xB000  }
0x2b3: {  	[tilespmem:s26], [sflag:$0x2] =	stream.indirect_vreg.gather [hbm4b:s1+s3], $0x80, v3, vm0, $0xb8;
	[tilespmem:$0x18800] =	vst v63  }
0x2b4: {  	s28 =	simm.s32 $0xB800  }
0x2b5: {  	[tilespmem:s28], [sflag:$0x2] =	stream.indirect_vreg.gather [hbm4b:s5+s3], $0x80, v3, vm0, $0xb8;
	[tilespmem:$0x18800] =	vst v63  }
0x2b6: {  	s29 =	simm.s32 $0xC000  }
0x2b7: {  	[tilespmem:s29], [sflag:$0x2] =	stream.indirect_vreg.gather [hbm4b:s6+s3], $0x80, v3, vm0, $0xb8;
	[tilespmem:$0x18800] =	vst v63  }
0x2b8: {  	s12 =	rddreg [dreg:$0x14];
	_ =	swait.ge [sflag:s13], $0x6000  }
0x2b9: {  	[sflag:s13] =	ssyncset.done $0x0  }
0x2ba: {  	s30 =	rddreg [dreg:$0x11];
	[sflag:s13] =	ssyncadd.s32 $0xFFFFA000  }
0x2bb: {  	[hbm:s30], [sflag:s18] =	dma.local [spmem:s19], $0xC00  }
0x2bc: {  	_ =	swait.ge [sflag:s14], $0x6000  }
0x2bd: {  	[sflag:s14] =	ssyncset.done $0x0  }
0x2be: {  	[sflag:s14] =	ssyncadd.s32 $0xFFFFA000  }
0x2bf: {  	_ =	swait.ge [sflag:s17], $0xC00  }
0x2c0: {  	[sflag:s17] =	ssyncset.done $0x0  }
0x2c1: {  	[sflag:s17] =	ssyncadd.s32 $0xFFFFF400  }
0x2c2: {  	[spmem:s2] =	stream.linear.scatter [tilespmem:s4], [sflag:$0x4], $0x6000, $0x38;
	[tilespmem:$0x18800] =	vst v63  }
0x2c3: {  	_ =	swait.ge [sflag:s15], $0x6000  }
0x2c4: {  	[sflag:s15] =	ssyncset.done $0x0  }
0x2c5: {  	s31 =	rddreg [dreg:$0x12];
	[sflag:s15] =	ssyncadd.s32 $0xFFFFA000  }
0x2c6: {  	[hbm:s31], [sflag:s20] =	dma.local [spmem:s21], $0xC00  }
0x2c7: {  	p0 =	sne.s32 s12, $0x1;
	_ =	swait.ge [sflag:s16], $0xC00  }
.Ltmp0:
0x2c8: {  	[sflag:s16] =	ssyncset.done $0x0;
	(pc) =	sbr.rel @p0 .LBB2_1-.Ltmp0, $4  }
0x2c9: {  	[sflag:s16] =	ssyncadd.s32 $0xFFFFF400  }
0x2ca: {  	_ =	swait.ge [sflag:s17], $0xC00  }
0x2cb: {  	[sflag:s17] =	ssyncset.done $0x0  }
0x2cc: {  	s0 =	sadd.s32 $0xFFFFFFFF, s12;
	[sflag:s17] =	ssyncadd.s32 $0xFFFFF400  }
0x2cd: {  	_ =	sfence.sel $0x180000  }
0x2ce: {  	[bflag:$0x0] =	sbarrier.arrive $0xFFFF  }
0x2cf: {  	_ =	strace $0x90000047  }
0x2d0: {  	s0 =	stileid.u32;
	[bflag:$0x2] =	sbarrier.arrive $0xFFFF  }
0x2d1: {  	p0 =	sne.s32 s0, $0x0;
	s0 =	rddreg [dreg:$0x4]  }
0x2d2: {  	s0 =	sadd.s32 @!p0 $0x100000, s0  }
0x2d3: {  	[sflag:s0] =	ssyncadd.tile.s32 @!p0 $0x1;
	_ =	shalt  }
.Lfunc_end2:
_tile_overlayer_lowered:
.L_overlay_start_2:
0x2d4: {  	(tag) =	ssettag $0x2  }
0x2d5: {  	s0 =	rddreg [dreg:$0x0];
	s2 =	stileid.u32  }
0x2d6: {  	s1 =	rddreg [dreg:$0x1];
	p0 =	sne.s32 s2, $0x0  }
0x2d7: {  	s3 =	rddreg [dreg:$0x2];
	[bflag:$0x3] =	sbarrier.arrive $0xFFFF;
	s2 =	simm.s32 @!p0 $0x1C07  }
0x2d8: {  	[timem:s3], [sflag:s2] =	dma.local @!p0 [hbm:s0], s1  }
0x2d9: {  	s0 =	simm.s32 @!p0 $0x7  }
0x2da: {  	_ =	swait.ge @!p0 [sflag:s0], s1  }
0x2db: {  	s1 =	ssub.s32 @!p0 $0x0, s1;
	[sflag:s0] =	ssyncset.done @!p0 $0x0  }
0x2dc: {  	[sflag:s0] =	ssyncadd.s32 @!p0 s1  }
0x2dd: {  	[bflag:$0x3] =	sbarrier.arrive $0xFFFF  }
0x2de: {  	_ =	shalt  }

</sc_bundles>
